<compile_context>
chip_gen: v7x
topology: tpu7x:2x2x1
jax: 0.10.2.dev20260603
libtpu: 0.0.44.dev20260713+nightly
codegen_flags: <defaults>
</compile_context>

<pallas_src>
import functools

import jax
import jax.numpy as jnp
from jax import lax
from jax.experimental import pallas as pl
from jax.experimental.pallas import tpu as pltpu
from jax.experimental.pallas import tpu_sc as plsc

_NUM_CORES = 2
_NUM_SUBCORES = 16
_NW = _NUM_CORES * _NUM_SUBCORES
_L = 16
_CHUNKS = (128, 128, 128, 128)


def _lookup_call(idx_t, table):
    n_rows, n_cols = idx_t.shape
    table_n = table.shape[0]
    cols_per_w = n_cols // _NW
    assert sum(_CHUNKS) == cols_per_w
    starts = [sum(_CHUNKS[:h]) for h in range(len(_CHUNKS))]
    nchunk = len(_CHUNKS)
    mesh = plsc.VectorSubcoreMesh(core_axis_name="c", subcore_axis_name="s")

    @functools.partial(
        pl.kernel,
        mesh=mesh,
        out_type=jax.ShapeDtypeStruct((n_rows, n_cols), jnp.float32),
        scratch_types=[
            [pltpu.VMEM((n_rows, c), jnp.int32) for c in _CHUNKS],
            [pltpu.VMEM((n_rows, c), jnp.float32) for c in _CHUNKS],
            pltpu.VMEM((table_n,), jnp.float32),
            [pltpu.SemaphoreType.DMA for _ in _CHUNKS],
            [pltpu.SemaphoreType.DMA for _ in _CHUNKS],
        ],
        compiler_params=pltpu.CompilerParams(
            needs_layout_passes=False, skip_device_barrier=True
        ),
    )
    def _lookup(idx_hbm, table_hbm, out_hbm, idx_bufs, out_bufs, table_v,
                in_sems, out_sems):
        wid = lax.axis_index("s") * _NUM_CORES + lax.axis_index("c")
        base = wid * cols_per_w

        def fire_in(h):
            return pltpu.async_copy(
                idx_hbm.at[:, pl.ds(base + starts[h], _CHUNKS[h])],
                idx_bufs[h],
                in_sems[h],
            )

        in_handles = {0: fire_in(0)}
        pltpu.sync_copy(table_hbm, table_v)

        out_handles = []
        for h in range(nchunk):
            if h + 1 < nchunk:
                in_handles[h + 1] = fire_in(h + 1)
            in_handles[h].wait()
            iv, ov = idx_bufs[h], out_bufs[h]
            vecs = _CHUNKS[h] // _L

            @plsc.parallel_loop(0, n_rows, 1, unroll=2)
            def _body(r, iv=iv, ov=ov, vecs=vecs):
                for j in range(vecs):
                    v = iv[r, pl.ds(j * _L, _L)]
                    ov[r, pl.ds(j * _L, _L)] = plsc.load_gather(table_v, [v])

            out_handles.append(
                pltpu.async_copy(
                    out_bufs[h],
                    out_hbm.at[:, pl.ds(base + starts[h], _CHUNKS[h])],
                    out_sems[h],
                )
            )
        for hdl in out_handles:
            hdl.wait()

    return _lookup(idx_t, table)


def kernel(inputs, table):
    out_t = _lookup_call(inputs.T, table)
    return out_t.T

# --- scband reference (transcript-rebuilt; emitter-appended) ---
"""Pipeline reference for scband-lookup-layer-2121713844570 (READ-ONLY COPY).

The authoritative reference and input builder live on the scoring server;
editing this copy changes nothing except your own understanding.
"""

import jax, jax.numpy as jnp
import numpy as np

NUM_BINS = 64
BATCH = 16384
FIELDS = 100


def setup_inputs(seed: int = 0) -> dict:
    key = jax.random.key(seed)
    k1, _ = jax.random.split(key)
    # indices in [0, NUM_BINS]; keys of the StaticHashTable are 1..NUM_BINS,
    # 0 (and anything out of range) hits the default value.
    inputs = jax.random.randint(k1, (BATCH, FIELDS), 0, NUM_BINS + 1).astype(jnp.int32)
    # bins values per init_kwargs: 0.5, 1.0, ..., 32.0
    bins = jnp.arange(1, NUM_BINS + 1, dtype=jnp.float32) * 0.5
    # dense lookup table: slot 0 holds the default_value (0), slot k holds bins[k-1]
    table = jnp.concatenate([jnp.zeros((1,), dtype=jnp.float32), bins], axis=0)
    return {"inputs": inputs, "table": table}


def reference(inputs, table):
    # Faithful translation of tf.lookup.StaticHashTable.lookup with
    # KeyValueTensorInitializer(range(1, len(bins)+1), bins), default_value=0.
    n = table.shape[0] - 1
    valid = (inputs >= 1) & (inputs <= n)
    safe_idx = jnp.where(valid, inputs, 0)  # index 0 stores the default value
    out = jnp.take(table, safe_idx, axis=0)
    return out

if __name__ == "__main__":
    import jax
    _d = setup_inputs()
    print(jax.jit(kernel)(*tuple(_d.values())))

</pallas_src>

<mosaic_0001>
#map = affine_map<(d0, d1) -> (0, 0)>
#map1 = affine_map<(d0, d1) -> (0)>
module attributes {stable_mosaic.version = 14 : i64} {
  func.func @_lookup(%arg0: i32, %arg1: i32, %arg2: memref<100x16384xi32, #tpu.memory_space<hbm>>, %arg3: memref<65xf32, #tpu.memory_space<hbm>>, %arg4: memref<100x16384xf32, #tpu.memory_space<hbm>>, %arg5: memref<100x128xi32, #tpu.memory_space<vmem>>, %arg6: memref<100x128xi32, #tpu.memory_space<vmem>>, %arg7: memref<100x128xi32, #tpu.memory_space<vmem>>, %arg8: memref<100x128xi32, #tpu.memory_space<vmem>>, %arg9: memref<100x128xf32, #tpu.memory_space<vmem>>, %arg10: memref<100x128xf32, #tpu.memory_space<vmem>>, %arg11: memref<100x128xf32, #tpu.memory_space<vmem>>, %arg12: memref<100x128xf32, #tpu.memory_space<vmem>>, %arg13: memref<65xf32, #tpu.memory_space<vmem>>, %arg14: memref<!tpu.dma_semaphore, #tpu.memory_space<semaphore_mem>>, %arg15: memref<!tpu.dma_semaphore, #tpu.memory_space<semaphore_mem>>, %arg16: memref<!tpu.dma_semaphore, #tpu.memory_space<semaphore_mem>>, %arg17: memref<!tpu.dma_semaphore, #tpu.memory_space<semaphore_mem>>, %arg18: memref<!tpu.dma_semaphore, #tpu.memory_space<semaphore_mem>>, %arg19: memref<!tpu.dma_semaphore, #tpu.memory_space<semaphore_mem>>, %arg20: memref<!tpu.dma_semaphore, #tpu.memory_space<semaphore_mem>>, %arg21: memref<!tpu.dma_semaphore, #tpu.memory_space<semaphore_mem>>) attributes {dimension_semantics = [#tpu.dimension_semantics<core_parallel>, #tpu.dimension_semantics<subcore_parallel>], iteration_bounds = array<i64: 2, 16>, scalar_prefetch = 0 : i64, scratch_operands = 17 : i64, tpu.core_type = #tpu.core_type<sc_vector_subcore>, window_params = [{transform_indices = #map}, {transform_indices = #map1}, {transform_indices = #map}]} {
    %mul3A = arith.constant 2 : i32
    %mul3A_0 = arith.muli %arg1, %mul3A : i32
    %add3A = arith.addi %mul3A_0, %arg0 : i32
    %mul3A_1 = arith.constant 512 : i32
    %mul3A_2 = arith.muli %add3A, %mul3A_1 : i32
    %add3A_3 = arith.constant 0 : i32
    %add3A_4 = arith.addi %mul3A_2, %add3A_3 : i32
    %dma_start3A = arith.constant 0 : i32
    %dma_start3A_5 = tpu.memref_slice %arg2[%dma_start3A, %add3A_4] : memref<100x16384xi32, #tpu.memory_space<hbm>> -> memref<100x128xi32, #tpu.memory_space<hbm>>
    %dma_start3A_6 = arith.constant 0 : i32
    %dma_start3A_7 = tpu.memref_slice %arg2[%dma_start3A_6, %add3A_4] : memref<100x16384xi32, #tpu.memory_space<hbm>> -> memref<100x128xi32, #tpu.memory_space<hbm>>
    tpu.enqueue_dma source(%dma_start3A_7 : memref<100x128xi32, #tpu.memory_space<hbm>>) target(%arg5 : memref<100x128xi32, #tpu.memory_space<vmem>>) target_semaphore(%arg14 : memref<!tpu.dma_semaphore, #tpu.memory_space<semaphore_mem>>)
    "tpu.region"() ({
      %run_scoped3A = tpu.sem_alloc : memref<!tpu.dma_semaphore, #tpu.memory_space<semaphore_mem>>
      tpu.enqueue_dma source(%arg3 : memref<65xf32, #tpu.memory_space<hbm>>) target(%arg13 : memref<65xf32, #tpu.memory_space<vmem>>) target_semaphore(%run_scoped3A : memref<!tpu.dma_semaphore, #tpu.memory_space<semaphore_mem>>)
      tpu.wait_dma2 semaphore(%run_scoped3A : memref<!tpu.dma_semaphore, #tpu.memory_space<semaphore_mem>>) src(%arg3 : memref<65xf32, #tpu.memory_space<hbm>>) dst(%arg13 : memref<65xf32, #tpu.memory_space<vmem>>)
      tpu.yield
    }) : () -> ()
    %add3A_8 = arith.constant 128 : i32
    %add3A_9 = arith.addi %mul3A_2, %add3A_8 : i32
    %dma_start3A_10 = arith.constant 0 : i32
    %dma_start3A_11 = tpu.memref_slice %arg2[%dma_start3A_10, %add3A_9] : memref<100x16384xi32, #tpu.memory_space<hbm>> -> memref<100x128xi32, #tpu.memory_space<hbm>>
    %dma_start3A_12 = arith.constant 0 : i32
    %dma_start3A_13 = tpu.memref_slice %arg2[%dma_start3A_12, %add3A_9] : memref<100x16384xi32, #tpu.memory_space<hbm>> -> memref<100x128xi32, #tpu.memory_space<hbm>>
    tpu.enqueue_dma source(%dma_start3A_13 : memref<100x128xi32, #tpu.memory_space<hbm>>) target(%arg6 : memref<100x128xi32, #tpu.memory_space<vmem>>) target_semaphore(%arg15 : memref<!tpu.dma_semaphore, #tpu.memory_space<semaphore_mem>>)
    %dma_wait3A = arith.constant 0 : i32
    %dma_wait3A_14 = tpu.memref_slice %arg2[%dma_wait3A, %add3A_4] : memref<100x16384xi32, #tpu.memory_space<hbm>> -> memref<100x128xi32, #tpu.memory_space<hbm>>
    %dma_wait3A_15 = arith.constant 0 : i32
    %dma_wait3A_16 = tpu.memref_slice %arg2[%dma_wait3A_15, %add3A_4] : memref<100x16384xi32, #tpu.memory_space<hbm>> -> memref<100x128xi32, #tpu.memory_space<hbm>>
    tpu.wait_dma2 semaphore(%arg14 : memref<!tpu.dma_semaphore, #tpu.memory_space<semaphore_mem>>) src(%dma_wait3A_16 : memref<100x128xi32, #tpu.memory_space<hbm>>) dst(%arg5 : memref<100x128xi32, #tpu.memory_space<vmem>>)
    %parallel_loop3A = arith.constant 0 : i32
    %parallel_loop3A_17 = arith.constant 100 : i32
    %parallel_loop3A_18 = arith.constant 1 : i32
    scf.for %parallel_loop3A_92 = %parallel_loop3A to %parallel_loop3A_17 step %parallel_loop3A_18  : i32 {
      %parallel_loop3A_93 = arith.index_cast %parallel_loop3A_92 : i32 to index
      %parallel_loop3A_94 = arith.constant 0 : index
      %parallel_loop3A_95 = tpu.vector_load %arg5[%parallel_loop3A_93, %parallel_loop3A_94] {strides = array<i32>} : memref<100x128xi32, #tpu.memory_space<vmem>>, vector<16xi32>,
      %parallel_loop3A_96 = tpu.vector_load_idx %arg13[%parallel_loop3A_95] : memref<65xf32, #tpu.memory_space<vmem>>[vector<16xi32>], vector<16xf32>,
      %parallel_loop3A_97 = arith.index_cast %parallel_loop3A_92 : i32 to index
      %parallel_loop3A_98 = arith.constant 0 : index
      %parallel_loop3A_99 = tpu.vector_load %arg9[%parallel_loop3A_97, %parallel_loop3A_98] {strides = array<i32>} : memref<100x128xf32, #tpu.memory_space<vmem>>, vector<16xf32>,
      tpu.vector_store %arg9[%parallel_loop3A_97, %parallel_loop3A_98], %parallel_loop3A_96 {strides = array<i32>} : memref<100x128xf32, #tpu.memory_space<vmem>>, vector<16xf32>,
      %parallel_loop3A_100 = arith.index_cast %parallel_loop3A_92 : i32 to index
      %parallel_loop3A_101 = arith.constant 16 : index
      %parallel_loop3A_102 = tpu.vector_load %arg5[%parallel_loop3A_100, %parallel_loop3A_101] {strides = array<i32>} : memref<100x128xi32, #tpu.memory_space<vmem>>, vector<16xi32>,
      %parallel_loop3A_103 = tpu.vector_load_idx %arg13[%parallel_loop3A_102] : memref<65xf32, #tpu.memory_space<vmem>>[vector<16xi32>], vector<16xf32>,
      %parallel_loop3A_104 = arith.index_cast %parallel_loop3A_92 : i32 to index
      %parallel_loop3A_105 = arith.constant 16 : index
      %parallel_loop3A_106 = tpu.vector_load %arg9[%parallel_loop3A_104, %parallel_loop3A_105] {strides = array<i32>} : memref<100x128xf32, #tpu.memory_space<vmem>>, vector<16xf32>,
      tpu.vector_store %arg9[%parallel_loop3A_104, %parallel_loop3A_105], %parallel_loop3A_103 {strides = array<i32>} : memref<100x128xf32, #tpu.memory_space<vmem>>, vector<16xf32>,
      %parallel_loop3A_107 = arith.index_cast %parallel_loop3A_92 : i32 to index
      %parallel_loop3A_108 = arith.constant 32 : index
      %parallel_loop3A_109 = tpu.vector_load %arg5[%parallel_loop3A_107, %parallel_loop3A_108] {strides = array<i32>} : memref<100x128xi32, #tpu.memory_space<vmem>>, vector<16xi32>,
      %parallel_loop3A_110 = tpu.vector_load_idx %arg13[%parallel_loop3A_109] : memref<65xf32, #tpu.memory_space<vmem>>[vector<16xi32>], vector<16xf32>,
      %parallel_loop3A_111 = arith.index_cast %parallel_loop3A_92 : i32 to index
      %parallel_loop3A_112 = arith.constant 32 : index
      %parallel_loop3A_113 = tpu.vector_load %arg9[%parallel_loop3A_111, %parallel_loop3A_112] {strides = array<i32>} : memref<100x128xf32, #tpu.memory_space<vmem>>, vector<16xf32>,
      tpu.vector_store %arg9[%parallel_loop3A_111, %parallel_loop3A_112], %parallel_loop3A_110 {strides = array<i32>} : memref<100x128xf32, #tpu.memory_space<vmem>>, vector<16xf32>,
      %parallel_loop3A_114 = arith.index_cast %parallel_loop3A_92 : i32 to index
      %parallel_loop3A_115 = arith.constant 48 : index
      %parallel_loop3A_116 = tpu.vector_load %arg5[%parallel_loop3A_114, %parallel_loop3A_115] {strides = array<i32>} : memref<100x128xi32, #tpu.memory_space<vmem>>, vector<16xi32>,
      %parallel_loop3A_117 = tpu.vector_load_idx %arg13[%parallel_loop3A_116] : memref<65xf32, #tpu.memory_space<vmem>>[vector<16xi32>], vector<16xf32>,
      %parallel_loop3A_118 = arith.index_cast %parallel_loop3A_92 : i32 to index
      %parallel_loop3A_119 = arith.constant 48 : index
      %parallel_loop3A_120 = tpu.vector_load %arg9[%parallel_loop3A_118, %parallel_loop3A_119] {strides = array<i32>} : memref<100x128xf32, #tpu.memory_space<vmem>>, vector<16xf32>,
      tpu.vector_store %arg9[%parallel_loop3A_118, %parallel_loop3A_119], %parallel_loop3A_117 {strides = array<i32>} : memref<100x128xf32, #tpu.memory_space<vmem>>, vector<16xf32>,
      %parallel_loop3A_121 = arith.index_cast %parallel_loop3A_92 : i32 to index
      %parallel_loop3A_122 = arith.constant 64 : index
      %parallel_loop3A_123 = tpu.vector_load %arg5[%parallel_loop3A_121, %parallel_loop3A_122] {strides = array<i32>} : memref<100x128xi32, #tpu.memory_space<vmem>>, vector<16xi32>,
      %parallel_loop3A_124 = tpu.vector_load_idx %arg13[%parallel_loop3A_123] : memref<65xf32, #tpu.memory_space<vmem>>[vector<16xi32>], vector<16xf32>,
      %parallel_loop3A_125 = arith.index_cast %parallel_loop3A_92 : i32 to index
      %parallel_loop3A_126 = arith.constant 64 : index
      %parallel_loop3A_127 = tpu.vector_load %arg9[%parallel_loop3A_125, %parallel_loop3A_126] {strides = array<i32>} : memref<100x128xf32, #tpu.memory_space<vmem>>, vector<16xf32>,
      tpu.vector_store %arg9[%parallel_loop3A_125, %parallel_loop3A_126], %parallel_loop3A_124 {strides = array<i32>} : memref<100x128xf32, #tpu.memory_space<vmem>>, vector<16xf32>,
      %parallel_loop3A_128 = arith.index_cast %parallel_loop3A_92 : i32 to index
      %parallel_loop3A_129 = arith.constant 80 : index
      %parallel_loop3A_130 = tpu.vector_load %arg5[%parallel_loop3A_128, %parallel_loop3A_129] {strides = array<i32>} : memref<100x128xi32, #tpu.memory_space<vmem>>, vector<16xi32>,
      %parallel_loop3A_131 = tpu.vector_load_idx %arg13[%parallel_loop3A_130] : memref<65xf32, #tpu.memory_space<vmem>>[vector<16xi32>], vector<16xf32>,
      %parallel_loop3A_132 = arith.index_cast %parallel_loop3A_92 : i32 to index
      %parallel_loop3A_133 = arith.constant 80 : index
      %parallel_loop3A_134 = tpu.vector_load %arg9[%parallel_loop3A_132, %parallel_loop3A_133] {strides = array<i32>} : memref<100x128xf32, #tpu.memory_space<vmem>>, vector<16xf32>,
      tpu.vector_store %arg9[%parallel_loop3A_132, %parallel_loop3A_133], %parallel_loop3A_131 {strides = array<i32>} : memref<100x128xf32, #tpu.memory_space<vmem>>, vector<16xf32>,
      %parallel_loop3A_135 = arith.index_cast %parallel_loop3A_92 : i32 to index
      %parallel_loop3A_136 = arith.constant 96 : index
      %parallel_loop3A_137 = tpu.vector_load %arg5[%parallel_loop3A_135, %parallel_loop3A_136] {strides = array<i32>} : memref<100x128xi32, #tpu.memory_space<vmem>>, vector<16xi32>,
      %parallel_loop3A_138 = tpu.vector_load_idx %arg13[%parallel_loop3A_137] : memref<65xf32, #tpu.memory_space<vmem>>[vector<16xi32>], vector<16xf32>,
      %parallel_loop3A_139 = arith.index_cast %parallel_loop3A_92 : i32 to index
      %parallel_loop3A_140 = arith.constant 96 : index
      %parallel_loop3A_141 = tpu.vector_load %arg9[%parallel_loop3A_139, %parallel_loop3A_140] {strides = array<i32>} : memref<100x128xf32, #tpu.memory_space<vmem>>, vector<16xf32>,
      tpu.vector_store %arg9[%parallel_loop3A_139, %parallel_loop3A_140], %parallel_loop3A_138 {strides = array<i32>} : memref<100x128xf32, #tpu.memory_space<vmem>>, vector<16xf32>,
      %parallel_loop3A_142 = arith.index_cast %parallel_loop3A_92 : i32 to index
      %parallel_loop3A_143 = arith.constant 112 : index
      %parallel_loop3A_144 = tpu.vector_load %arg5[%parallel_loop3A_142, %parallel_loop3A_143] {strides = array<i32>} : memref<100x128xi32, #tpu.memory_space<vmem>>, vector<16xi32>,
      %parallel_loop3A_145 = tpu.vector_load_idx %arg13[%parallel_loop3A_144] : memref<65xf32, #tpu.memory_space<vmem>>[vector<16xi32>], vector<16xf32>,
      %parallel_loop3A_146 = arith.index_cast %parallel_loop3A_92 : i32 to index
      %parallel_loop3A_147 = arith.constant 112 : index
      %parallel_loop3A_148 = tpu.vector_load %arg9[%parallel_loop3A_146, %parallel_loop3A_147] {strides = array<i32>} : memref<100x128xf32, #tpu.memory_space<vmem>>, vector<16xf32>,
      tpu.vector_store %arg9[%parallel_loop3A_146, %parallel_loop3A_147], %parallel_loop3A_145 {strides = array<i32>} : memref<100x128xf32, #tpu.memory_space<vmem>>, vector<16xf32>,
    } {sc.loop_unroll_factor = 2 : i64, sc.parallel_access}
    %add3A_19 = arith.constant 0 : i32
    %add3A_20 = arith.addi %mul3A_2, %add3A_19 : i32
    %dma_start3A_21 = arith.constant 0 : i32
    %dma_start3A_22 = tpu.memref_slice %arg4[%dma_start3A_21, %add3A_20] : memref<100x16384xf32, #tpu.memory_space<hbm>> -> memref<100x128xf32, #tpu.memory_space<hbm>>
    %dma_start3A_23 = arith.constant 0 : i32
    %dma_start3A_24 = tpu.memref_slice %arg4[%dma_start3A_23, %add3A_20] : memref<100x16384xf32, #tpu.memory_space<hbm>> -> memref<100x128xf32, #tpu.memory_space<hbm>>
    tpu.enqueue_dma source(%arg9 : memref<100x128xf32, #tpu.memory_space<vmem>>) target(%dma_start3A_24 : memref<100x128xf32, #tpu.memory_space<hbm>>) target_semaphore(%arg18 : memref<!tpu.dma_semaphore, #tpu.memory_space<semaphore_mem>>)
    %add3A_25 = arith.constant 256 : i32
    %add3A_26 = arith.addi %mul3A_2, %add3A_25 : i32
    %dma_start3A_27 = arith.constant 0 : i32
    %dma_start3A_28 = tpu.memref_slice %arg2[%dma_start3A_27, %add3A_26] : memref<100x16384xi32, #tpu.memory_space<hbm>> -> memref<100x128xi32, #tpu.memory_space<hbm>>
    %dma_start3A_29 = arith.constant 0 : i32
    %dma_start3A_30 = tpu.memref_slice %arg2[%dma_start3A_29, %add3A_26] : memref<100x16384xi32, #tpu.memory_space<hbm>> -> memref<100x128xi32, #tpu.memory_space<hbm>>
    tpu.enqueue_dma source(%dma_start3A_30 : memref<100x128xi32, #tpu.memory_space<hbm>>) target(%arg7 : memref<100x128xi32, #tpu.memory_space<vmem>>) target_semaphore(%arg16 : memref<!tpu.dma_semaphore, #tpu.memory_space<semaphore_mem>>)
    %dma_wait3A_31 = arith.constant 0 : i32
    %dma_wait3A_32 = tpu.memref_slice %arg2[%dma_wait3A_31, %add3A_9] : memref<100x16384xi32, #tpu.memory_space<hbm>> -> memref<100x128xi32, #tpu.memory_space<hbm>>
    %dma_wait3A_33 = arith.constant 0 : i32
    %dma_wait3A_34 = tpu.memref_slice %arg2[%dma_wait3A_33, %add3A_9] : memref<100x16384xi32, #tpu.memory_space<hbm>> -> memref<100x128xi32, #tpu.memory_space<hbm>>
    tpu.wait_dma2 semaphore(%arg15 : memref<!tpu.dma_semaphore, #tpu.memory_space<semaphore_mem>>) src(%dma_wait3A_34 : memref<100x128xi32, #tpu.memory_space<hbm>>) dst(%arg6 : memref<100x128xi32, #tpu.memory_space<vmem>>)
    %parallel_loop3A_35 = arith.constant 0 : i32
    %parallel_loop3A_36 = arith.constant 100 : i32
    %parallel_loop3A_37 = arith.constant 1 : i32
    scf.for %parallel_loop3A_92 = %parallel_loop3A_35 to %parallel_loop3A_36 step %parallel_loop3A_37  : i32 {
      %parallel_loop3A_93 = arith.index_cast %parallel_loop3A_92 : i32 to index
      %parallel_loop3A_94 = arith.constant 0 : index
      %parallel_loop3A_95 = tpu.vector_load %arg6[%parallel_loop3A_93, %parallel_loop3A_94] {strides = array<i32>} : memref<100x128xi32, #tpu.memory_space<vmem>>, vector<16xi32>,
      %parallel_loop3A_96 = tpu.vector_load_idx %arg13[%parallel_loop3A_95] : memref<65xf32, #tpu.memory_space<vmem>>[vector<16xi32>], vector<16xf32>,
      %parallel_loop3A_97 = arith.index_cast %parallel_loop3A_92 : i32 to index
      %parallel_loop3A_98 = arith.constant 0 : index
      %parallel_loop3A_99 = tpu.vector_load %arg10[%parallel_loop3A_97, %parallel_loop3A_98] {strides = array<i32>} : memref<100x128xf32, #tpu.memory_space<vmem>>, vector<16xf32>,
      tpu.vector_store %arg10[%parallel_loop3A_97, %parallel_loop3A_98], %parallel_loop3A_96 {strides = array<i32>} : memref<100x128xf32, #tpu.memory_space<vmem>>, vector<16xf32>,
      %parallel_loop3A_100 = arith.index_cast %parallel_loop3A_92 : i32 to index
      %parallel_loop3A_101 = arith.constant 16 : index
      %parallel_loop3A_102 = tpu.vector_load %arg6[%parallel_loop3A_100, %parallel_loop3A_101] {strides = array<i32>} : memref<100x128xi32, #tpu.memory_space<vmem>>, vector<16xi32>,
      %parallel_loop3A_103 = tpu.vector_load_idx %arg13[%parallel_loop3A_102] : memref<65xf32, #tpu.memory_space<vmem>>[vector<16xi32>], vector<16xf32>,
      %parallel_loop3A_104 = arith.index_cast %parallel_loop3A_92 : i32 to index
      %parallel_loop3A_105 = arith.constant 16 : index
      %parallel_loop3A_106 = tpu.vector_load %arg10[%parallel_loop3A_104, %parallel_loop3A_105] {strides = array<i32>} : memref<100x128xf32, #tpu.memory_space<vmem>>, vector<16xf32>,
      tpu.vector_store %arg10[%parallel_loop3A_104, %parallel_loop3A_105], %parallel_loop3A_103 {strides = array<i32>} : memref<100x128xf32, #tpu.memory_space<vmem>>, vector<16xf32>,
      %parallel_loop3A_107 = arith.index_cast %parallel_loop3A_92 : i32 to index
      %parallel_loop3A_108 = arith.constant 32 : index
      %parallel_loop3A_109 = tpu.vector_load %arg6[%parallel_loop3A_107, %parallel_loop3A_108] {strides = array<i32>} : memref<100x128xi32, #tpu.memory_space<vmem>>, vector<16xi32>,
      %parallel_loop3A_110 = tpu.vector_load_idx %arg13[%parallel_loop3A_109] : memref<65xf32, #tpu.memory_space<vmem>>[vector<16xi32>], vector<16xf32>,
      %parallel_loop3A_111 = arith.index_cast %parallel_loop3A_92 : i32 to index
      %parallel_loop3A_112 = arith.constant 32 : index
      %parallel_loop3A_113 = tpu.vector_load %arg10[%parallel_loop3A_111, %parallel_loop3A_112] {strides = array<i32>} : memref<100x128xf32, #tpu.memory_space<vmem>>, vector<16xf32>,
      tpu.vector_store %arg10[%parallel_loop3A_111, %parallel_loop3A_112], %parallel_loop3A_110 {strides = array<i32>} : memref<100x128xf32, #tpu.memory_space<vmem>>, vector<16xf32>,
      %parallel_loop3A_114 = arith.index_cast %parallel_loop3A_92 : i32 to index
      %parallel_loop3A_115 = arith.constant 48 : index
      %parallel_loop3A_116 = tpu.vector_load %arg6[%parallel_loop3A_114, %parallel_loop3A_115] {strides = array<i32>} : memref<100x128xi32, #tpu.memory_space<vmem>>, vector<16xi32>,
      %parallel_loop3A_117 = tpu.vector_load_idx %arg13[%parallel_loop3A_116] : memref<65xf32, #tpu.memory_space<vmem>>[vector<16xi32>], vector<16xf32>,
      %parallel_loop3A_118 = arith.index_cast %parallel_loop3A_92 : i32 to index
      %parallel_loop3A_119 = arith.constant 48 : index
      %parallel_loop3A_120 = tpu.vector_load %arg10[%parallel_loop3A_118, %parallel_loop3A_119] {strides = array<i32>} : memref<100x128xf32, #tpu.memory_space<vmem>>, vector<16xf32>,
      tpu.vector_store %arg10[%parallel_loop3A_118, %parallel_loop3A_119], %parallel_loop3A_117 {strides = array<i32>} : memref<100x128xf32, #tpu.memory_space<vmem>>, vector<16xf32>,
      %parallel_loop3A_121 = arith.index_cast %parallel_loop3A_92 : i32 to index
      %parallel_loop3A_122 = arith.constant 64 : index
      %parallel_loop3A_123 = tpu.vector_load %arg6[%parallel_loop3A_121, %parallel_loop3A_122] {strides = array<i32>} : memref<100x128xi32, #tpu.memory_space<vmem>>, vector<16xi32>,
      %parallel_loop3A_124 = tpu.vector_load_idx %arg13[%parallel_loop3A_123] : memref<65xf32, #tpu.memory_space<vmem>>[vector<16xi32>], vector<16xf32>,
      %parallel_loop3A_125 = arith.index_cast %parallel_loop3A_92 : i32 to index
      %parallel_loop3A_126 = arith.constant 64 : index
      %parallel_loop3A_127 = tpu.vector_load %arg10[%parallel_loop3A_125, %parallel_loop3A_126] {strides = array<i32>} : memref<100x128xf32, #tpu.memory_space<vmem>>, vector<16xf32>,
      tpu.vector_store %arg10[%parallel_loop3A_125, %parallel_loop3A_126], %parallel_loop3A_124 {strides = array<i32>} : memref<100x128xf32, #tpu.memory_space<vmem>>, vector<16xf32>,
      %parallel_loop3A_128 = arith.index_cast %parallel_loop3A_92 : i32 to index
      %parallel_loop3A_129 = arith.constant 80 : index
      %parallel_loop3A_130 = tpu.vector_load %arg6[%parallel_loop3A_128, %parallel_loop3A_129] {strides = array<i32>} : memref<100x128xi32, #tpu.memory_space<vmem>>, vector<16xi32>,
      %parallel_loop3A_131 = tpu.vector_load_idx %arg13[%parallel_loop3A_130] : memref<65xf32, #tpu.memory_space<vmem>>[vector<16xi32>], vector<16xf32>,
      %parallel_loop3A_132 = arith.index_cast %parallel_loop3A_92 : i32 to index
      %parallel_loop3A_133 = arith.constant 80 : index
      %parallel_loop3A_134 = tpu.vector_load %arg10[%parallel_loop3A_132, %parallel_loop3A_133] {strides = array<i32>} : memref<100x128xf32, #tpu.memory_space<vmem>>, vector<16xf32>,
      tpu.vector_store %arg10[%parallel_loop3A_132, %parallel_loop3A_133], %parallel_loop3A_131 {strides = array<i32>} : memref<100x128xf32, #tpu.memory_space<vmem>>, vector<16xf32>,
      %parallel_loop3A_135 = arith.index_cast %parallel_loop3A_92 : i32 to index
      %parallel_loop3A_136 = arith.constant 96 : index
      %parallel_loop3A_137 = tpu.vector_load %arg6[%parallel_loop3A_135, %parallel_loop3A_136] {strides = array<i32>} : memref<100x128xi32, #tpu.memory_space<vmem>>, vector<16xi32>,
      %parallel_loop3A_138 = tpu.vector_load_idx %arg13[%parallel_loop3A_137] : memref<65xf32, #tpu.memory_space<vmem>>[vector<16xi32>], vector<16xf32>,
      %parallel_loop3A_139 = arith.index_cast %parallel_loop3A_92 : i32 to index
      %parallel_loop3A_140 = arith.constant 96 : index
      %parallel_loop3A_141 = tpu.vector_load %arg10[%parallel_loop3A_139, %parallel_loop3A_140] {strides = array<i32>} : memref<100x128xf32, #tpu.memory_space<vmem>>, vector<16xf32>,
      tpu.vector_store %arg10[%parallel_loop3A_139, %parallel_loop3A_140], %parallel_loop3A_138 {strides = array<i32>} : memref<100x128xf32, #tpu.memory_space<vmem>>, vector<16xf32>,
      %parallel_loop3A_142 = arith.index_cast %parallel_loop3A_92 : i32 to index
      %parallel_loop3A_143 = arith.constant 112 : index
      %parallel_loop3A_144 = tpu.vector_load %arg6[%parallel_loop3A_142, %parallel_loop3A_143] {strides = array<i32>} : memref<100x128xi32, #tpu.memory_space<vmem>>, vector<16xi32>,
      %parallel_loop3A_145 = tpu.vector_load_idx %arg13[%parallel_loop3A_144] : memref<65xf32, #tpu.memory_space<vmem>>[vector<16xi32>], vector<16xf32>,
      %parallel_loop3A_146 = arith.index_cast %parallel_loop3A_92 : i32 to index
      %parallel_loop3A_147 = arith.constant 112 : index
      %parallel_loop3A_148 = tpu.vector_load %arg10[%parallel_loop3A_146, %parallel_loop3A_147] {strides = array<i32>} : memref<100x128xf32, #tpu.memory_space<vmem>>, vector<16xf32>,
      tpu.vector_store %arg10[%parallel_loop3A_146, %parallel_loop3A_147], %parallel_loop3A_145 {strides = array<i32>} : memref<100x128xf32, #tpu.memory_space<vmem>>, vector<16xf32>,
    } {sc.loop_unroll_factor = 2 : i64, sc.parallel_access}
    %add3A_38 = arith.constant 128 : i32
    %add3A_39 = arith.addi %mul3A_2, %add3A_38 : i32
    %dma_start3A_40 = arith.constant 0 : i32
    %dma_start3A_41 = tpu.memref_slice %arg4[%dma_start3A_40, %add3A_39] : memref<100x16384xf32, #tpu.memory_space<hbm>> -> memref<100x128xf32, #tpu.memory_space<hbm>>
    %dma_start3A_42 = arith.constant 0 : i32
    %dma_start3A_43 = tpu.memref_slice %arg4[%dma_start3A_42, %add3A_39] : memref<100x16384xf32, #tpu.memory_space<hbm>> -> memref<100x128xf32, #tpu.memory_space<hbm>>
    tpu.enqueue_dma source(%arg10 : memref<100x128xf32, #tpu.memory_space<vmem>>) target(%dma_start3A_43 : memref<100x128xf32, #tpu.memory_space<hbm>>) target_semaphore(%arg19 : memref<!tpu.dma_semaphore, #tpu.memory_space<semaphore_mem>>)
    %add3A_44 = arith.constant 384 : i32
    %add3A_45 = arith.addi %mul3A_2, %add3A_44 : i32
    %dma_start3A_46 = arith.constant 0 : i32
    %dma_start3A_47 = tpu.memref_slice %arg2[%dma_start3A_46, %add3A_45] : memref<100x16384xi32, #tpu.memory_space<hbm>> -> memref<100x128xi32, #tpu.memory_space<hbm>>
    %dma_start3A_48 = arith.constant 0 : i32
    %dma_start3A_49 = tpu.memref_slice %arg2[%dma_start3A_48, %add3A_45] : memref<100x16384xi32, #tpu.memory_space<hbm>> -> memref<100x128xi32, #tpu.memory_space<hbm>>
    tpu.enqueue_dma source(%dma_start3A_49 : memref<100x128xi32, #tpu.memory_space<hbm>>) target(%arg8 : memref<100x128xi32, #tpu.memory_space<vmem>>) target_semaphore(%arg17 : memref<!tpu.dma_semaphore, #tpu.memory_space<semaphore_mem>>)
    %dma_wait3A_50 = arith.constant 0 : i32
    %dma_wait3A_51 = tpu.memref_slice %arg2[%dma_wait3A_50, %add3A_26] : memref<100x16384xi32, #tpu.memory_space<hbm>> -> memref<100x128xi32, #tpu.memory_space<hbm>>
    %dma_wait3A_52 = arith.constant 0 : i32
    %dma_wait3A_53 = tpu.memref_slice %arg2[%dma_wait3A_52, %add3A_26] : memref<100x16384xi32, #tpu.memory_space<hbm>> -> memref<100x128xi32, #tpu.memory_space<hbm>>
    tpu.wait_dma2 semaphore(%arg16 : memref<!tpu.dma_semaphore, #tpu.memory_space<semaphore_mem>>) src(%dma_wait3A_53 : memref<100x128xi32, #tpu.memory_space<hbm>>) dst(%arg7 : memref<100x128xi32, #tpu.memory_space<vmem>>)
    %parallel_loop3A_54 = arith.constant 0 : i32
    %parallel_loop3A_55 = arith.constant 100 : i32
    %parallel_loop3A_56 = arith.constant 1 : i32
    scf.for %parallel_loop3A_92 = %parallel_loop3A_54 to %parallel_loop3A_55 step %parallel_loop3A_56  : i32 {
      %parallel_loop3A_93 = arith.index_cast %parallel_loop3A_92 : i32 to index
      %parallel_loop3A_94 = arith.constant 0 : index
      %parallel_loop3A_95 = tpu.vector_load %arg7[%parallel_loop3A_93, %parallel_loop3A_94] {strides = array<i32>} : memref<100x128xi32, #tpu.memory_space<vmem>>, vector<16xi32>,
      %parallel_loop3A_96 = tpu.vector_load_idx %arg13[%parallel_loop3A_95] : memref<65xf32, #tpu.memory_space<vmem>>[vector<16xi32>], vector<16xf32>,
      %parallel_loop3A_97 = arith.index_cast %parallel_loop3A_92 : i32 to index
      %parallel_loop3A_98 = arith.constant 0 : index
      %parallel_loop3A_99 = tpu.vector_load %arg11[%parallel_loop3A_97, %parallel_loop3A_98] {strides = array<i32>} : memref<100x128xf32, #tpu.memory_space<vmem>>, vector<16xf32>,
      tpu.vector_store %arg11[%parallel_loop3A_97, %parallel_loop3A_98], %parallel_loop3A_96 {strides = array<i32>} : memref<100x128xf32, #tpu.memory_space<vmem>>, vector<16xf32>,
      %parallel_loop3A_100 = arith.index_cast %parallel_loop3A_92 : i32 to index
      %parallel_loop3A_101 = arith.constant 16 : index
      %parallel_loop3A_102 = tpu.vector_load %arg7[%parallel_loop3A_100, %parallel_loop3A_101] {strides = array<i32>} : memref<100x128xi32, #tpu.memory_space<vmem>>, vector<16xi32>,
      %parallel_loop3A_103 = tpu.vector_load_idx %arg13[%parallel_loop3A_102] : memref<65xf32, #tpu.memory_space<vmem>>[vector<16xi32>], vector<16xf32>,
      %parallel_loop3A_104 = arith.index_cast %parallel_loop3A_92 : i32 to index
      %parallel_loop3A_105 = arith.constant 16 : index
      %parallel_loop3A_106 = tpu.vector_load %arg11[%parallel_loop3A_104, %parallel_loop3A_105] {strides = array<i32>} : memref<100x128xf32, #tpu.memory_space<vmem>>, vector<16xf32>,
      tpu.vector_store %arg11[%parallel_loop3A_104, %parallel_loop3A_105], %parallel_loop3A_103 {strides = array<i32>} : memref<100x128xf32, #tpu.memory_space<vmem>>, vector<16xf32>,
      %parallel_loop3A_107 = arith.index_cast %parallel_loop3A_92 : i32 to index
      %parallel_loop3A_108 = arith.constant 32 : index
      %parallel_loop3A_109 = tpu.vector_load %arg7[%parallel_loop3A_107, %parallel_loop3A_108] {strides = array<i32>} : memref<100x128xi32, #tpu.memory_space<vmem>>, vector<16xi32>,
      %parallel_loop3A_110 = tpu.vector_load_idx %arg13[%parallel_loop3A_109] : memref<65xf32, #tpu.memory_space<vmem>>[vector<16xi32>], vector<16xf32>,
      %parallel_loop3A_111 = arith.index_cast %parallel_loop3A_92 : i32 to index
      %parallel_loop3A_112 = arith.constant 32 : index
      %parallel_loop3A_113 = tpu.vector_load %arg11[%parallel_loop3A_111, %parallel_loop3A_112] {strides = array<i32>} : memref<100x128xf32, #tpu.memory_space<vmem>>, vector<16xf32>,
      tpu.vector_store %arg11[%parallel_loop3A_111, %parallel_loop3A_112], %parallel_loop3A_110 {strides = array<i32>} : memref<100x128xf32, #tpu.memory_space<vmem>>, vector<16xf32>,
      %parallel_loop3A_114 = arith.index_cast %parallel_loop3A_92 : i32 to index
      %parallel_loop3A_115 = arith.constant 48 : index
      %parallel_loop3A_116 = tpu.vector_load %arg7[%parallel_loop3A_114, %parallel_loop3A_115] {strides = array<i32>} : memref<100x128xi32, #tpu.memory_space<vmem>>, vector<16xi32>,
      %parallel_loop3A_117 = tpu.vector_load_idx %arg13[%parallel_loop3A_116] : memref<65xf32, #tpu.memory_space<vmem>>[vector<16xi32>], vector<16xf32>,
      %parallel_loop3A_118 = arith.index_cast %parallel_loop3A_92 : i32 to index
      %parallel_loop3A_119 = arith.constant 48 : index
      %parallel_loop3A_120 = tpu.vector_load %arg11[%parallel_loop3A_118, %parallel_loop3A_119] {strides = array<i32>} : memref<100x128xf32, #tpu.memory_space<vmem>>, vector<16xf32>,
      tpu.vector_store %arg11[%parallel_loop3A_118, %parallel_loop3A_119], %parallel_loop3A_117 {strides = array<i32>} : memref<100x128xf32, #tpu.memory_space<vmem>>, vector<16xf32>,
      %parallel_loop3A_121 = arith.index_cast %parallel_loop3A_92 : i32 to index
      %parallel_loop3A_122 = arith.constant 64 : index
      %parallel_loop3A_123 = tpu.vector_load %arg7[%parallel_loop3A_121, %parallel_loop3A_122] {strides = array<i32>} : memref<100x128xi32, #tpu.memory_space<vmem>>, vector<16xi32>,
      %parallel_loop3A_124 = tpu.vector_load_idx %arg13[%parallel_loop3A_123] : memref<65xf32, #tpu.memory_space<vmem>>[vector<16xi32>], vector<16xf32>,
      %parallel_loop3A_125 = arith.index_cast %parallel_loop3A_92 : i32 to index
      %parallel_loop3A_126 = arith.constant 64 : index
      %parallel_loop3A_127 = tpu.vector_load %arg11[%parallel_loop3A_125, %parallel_loop3A_126] {strides = array<i32>} : memref<100x128xf32, #tpu.memory_space<vmem>>, vector<16xf32>,
      tpu.vector_store %arg11[%parallel_loop3A_125, %parallel_loop3A_126], %parallel_loop3A_124 {strides = array<i32>} : memref<100x128xf32, #tpu.memory_space<vmem>>, vector<16xf32>,
      %parallel_loop3A_128 = arith.index_cast %parallel_loop3A_92 : i32 to index
      %parallel_loop3A_129 = arith.constant 80 : index
      %parallel_loop3A_130 = tpu.vector_load %arg7[%parallel_loop3A_128, %parallel_loop3A_129] {strides = array<i32>} : memref<100x128xi32, #tpu.memory_space<vmem>>, vector<16xi32>,
      %parallel_loop3A_131 = tpu.vector_load_idx %arg13[%parallel_loop3A_130] : memref<65xf32, #tpu.memory_space<vmem>>[vector<16xi32>], vector<16xf32>,
      %parallel_loop3A_132 = arith.index_cast %parallel_loop3A_92 : i32 to index
      %parallel_loop3A_133 = arith.constant 80 : index
      %parallel_loop3A_134 = tpu.vector_load %arg11[%parallel_loop3A_132, %parallel_loop3A_133] {strides = array<i32>} : memref<100x128xf32, #tpu.memory_space<vmem>>, vector<16xf32>,
      tpu.vector_store %arg11[%parallel_loop3A_132, %parallel_loop3A_133], %parallel_loop3A_131 {strides = array<i32>} : memref<100x128xf32, #tpu.memory_space<vmem>>, vector<16xf32>,
      %parallel_loop3A_135 = arith.index_cast %parallel_loop3A_92 : i32 to index
      %parallel_loop3A_136 = arith.constant 96 : index
      %parallel_loop3A_137 = tpu.vector_load %arg7[%parallel_loop3A_135, %parallel_loop3A_136] {strides = array<i32>} : memref<100x128xi32, #tpu.memory_space<vmem>>, vector<16xi32>,
      %parallel_loop3A_138 = tpu.vector_load_idx %arg13[%parallel_loop3A_137] : memref<65xf32, #tpu.memory_space<vmem>>[vector<16xi32>], vector<16xf32>,
      %parallel_loop3A_139 = arith.index_cast %parallel_loop3A_92 : i32 to index
      %parallel_loop3A_140 = arith.constant 96 : index
      %parallel_loop3A_141 = tpu.vector_load %arg11[%parallel_loop3A_139, %parallel_loop3A_140] {strides = array<i32>} : memref<100x128xf32, #tpu.memory_space<vmem>>, vector<16xf32>,
      tpu.vector_store %arg11[%parallel_loop3A_139, %parallel_loop3A_140], %parallel_loop3A_138 {strides = array<i32>} : memref<100x128xf32, #tpu.memory_space<vmem>>, vector<16xf32>,
      %parallel_loop3A_142 = arith.index_cast %parallel_loop3A_92 : i32 to index
      %parallel_loop3A_143 = arith.constant 112 : index
      %parallel_loop3A_144 = tpu.vector_load %arg7[%parallel_loop3A_142, %parallel_loop3A_143] {strides = array<i32>} : memref<100x128xi32, #tpu.memory_space<vmem>>, vector<16xi32>,
      %parallel_loop3A_145 = tpu.vector_load_idx %arg13[%parallel_loop3A_144] : memref<65xf32, #tpu.memory_space<vmem>>[vector<16xi32>], vector<16xf32>,
      %parallel_loop3A_146 = arith.index_cast %parallel_loop3A_92 : i32 to index
      %parallel_loop3A_147 = arith.constant 112 : index
      %parallel_loop3A_148 = tpu.vector_load %arg11[%parallel_loop3A_146, %parallel_loop3A_147] {strides = array<i32>} : memref<100x128xf32, #tpu.memory_space<vmem>>, vector<16xf32>,
      tpu.vector_store %arg11[%parallel_loop3A_146, %parallel_loop3A_147], %parallel_loop3A_145 {strides = array<i32>} : memref<100x128xf32, #tpu.memory_space<vmem>>, vector<16xf32>,
    } {sc.loop_unroll_factor = 2 : i64, sc.parallel_access}
    %add3A_57 = arith.constant 256 : i32
    %add3A_58 = arith.addi %mul3A_2, %add3A_57 : i32
    %dma_start3A_59 = arith.constant 0 : i32
    %dma_start3A_60 = tpu.memref_slice %arg4[%dma_start3A_59, %add3A_58] : memref<100x16384xf32, #tpu.memory_space<hbm>> -> memref<100x128xf32, #tpu.memory_space<hbm>>
    %dma_start3A_61 = arith.constant 0 : i32
    %dma_start3A_62 = tpu.memref_slice %arg4[%dma_start3A_61, %add3A_58] : memref<100x16384xf32, #tpu.memory_space<hbm>> -> memref<100x128xf32, #tpu.memory_space<hbm>>
    tpu.enqueue_dma source(%arg11 : memref<100x128xf32, #tpu.memory_space<vmem>>) target(%dma_start3A_62 : memref<100x128xf32, #tpu.memory_space<hbm>>) target_semaphore(%arg20 : memref<!tpu.dma_semaphore, #tpu.memory_space<semaphore_mem>>)
    %dma_wait3A_63 = arith.constant 0 : i32
    %dma_wait3A_64 = tpu.memref_slice %arg2[%dma_wait3A_63, %add3A_45] : memref<100x16384xi32, #tpu.memory_space<hbm>> -> memref<100x128xi32, #tpu.memory_space<hbm>>
    %dma_wait3A_65 = arith.constant 0 : i32
    %dma_wait3A_66 = tpu.memref_slice %arg2[%dma_wait3A_65, %add3A_45] : memref<100x16384xi32, #tpu.memory_space<hbm>> -> memref<100x128xi32, #tpu.memory_space<hbm>>
    tpu.wait_dma2 semaphore(%arg17 : memref<!tpu.dma_semaphore, #tpu.memory_space<semaphore_mem>>) src(%dma_wait3A_66 : memref<100x128xi32, #tpu.memory_space<hbm>>) dst(%arg8 : memref<100x128xi32, #tpu.memory_space<vmem>>)
    %parallel_loop3A_67 = arith.constant 0 : i32
    %parallel_loop3A_68 = arith.constant 100 : i32
    %parallel_loop3A_69 = arith.constant 1 : i32
    scf.for %parallel_loop3A_92 = %parallel_loop3A_67 to %parallel_loop3A_68 step %parallel_loop3A_69  : i32 {
      %parallel_loop3A_93 = arith.index_cast %parallel_loop3A_92 : i32 to index
      %parallel_loop3A_94 = arith.constant 0 : index
      %parallel_loop3A_95 = tpu.vector_load %arg8[%parallel_loop3A_93, %parallel_loop3A_94] {strides = array<i32>} : memref<100x128xi32, #tpu.memory_space<vmem>>, vector<16xi32>,
      %parallel_loop3A_96 = tpu.vector_load_idx %arg13[%parallel_loop3A_95] : memref<65xf32, #tpu.memory_space<vmem>>[vector<16xi32>], vector<16xf32>,
      %parallel_loop3A_97 = arith.index_cast %parallel_loop3A_92 : i32 to index
      %parallel_loop3A_98 = arith.constant 0 : index
      %parallel_loop3A_99 = tpu.vector_load %arg12[%parallel_loop3A_97, %parallel_loop3A_98] {strides = array<i32>} : memref<100x128xf32, #tpu.memory_space<vmem>>, vector<16xf32>,
      tpu.vector_store %arg12[%parallel_loop3A_97, %parallel_loop3A_98], %parallel_loop3A_96 {strides = array<i32>} : memref<100x128xf32, #tpu.memory_space<vmem>>, vector<16xf32>,
      %parallel_loop3A_100 = arith.index_cast %parallel_loop3A_92 : i32 to index
      %parallel_loop3A_101 = arith.constant 16 : index
      %parallel_loop3A_102 = tpu.vector_load %arg8[%parallel_loop3A_100, %parallel_loop3A_101] {strides = array<i32>} : memref<100x128xi32, #tpu.memory_space<vmem>>, vector<16xi32>,
      %parallel_loop3A_103 = tpu.vector_load_idx %arg13[%parallel_loop3A_102] : memref<65xf32, #tpu.memory_space<vmem>>[vector<16xi32>], vector<16xf32>,
      %parallel_loop3A_104 = arith.index_cast %parallel_loop3A_92 : i32 to index
      %parallel_loop3A_105 = arith.constant 16 : index
      %parallel_loop3A_106 = tpu.vector_load %arg12[%parallel_loop3A_104, %parallel_loop3A_105] {strides = array<i32>} : memref<100x128xf32, #tpu.memory_space<vmem>>, vector<16xf32>,
      tpu.vector_store %arg12[%parallel_loop3A_104, %parallel_loop3A_105], %parallel_loop3A_103 {strides = array<i32>} : memref<100x128xf32, #tpu.memory_space<vmem>>, vector<16xf32>,
      %parallel_loop3A_107 = arith.index_cast %parallel_loop3A_92 : i32 to index
      %parallel_loop3A_108 = arith.constant 32 : index
      %parallel_loop3A_109 = tpu.vector_load %arg8[%parallel_loop3A_107, %parallel_loop3A_108] {strides = array<i32>} : memref<100x128xi32, #tpu.memory_space<vmem>>, vector<16xi32>,
      %parallel_loop3A_110 = tpu.vector_load_idx %arg13[%parallel_loop3A_109] : memref<65xf32, #tpu.memory_space<vmem>>[vector<16xi32>], vector<16xf32>,
      %parallel_loop3A_111 = arith.index_cast %parallel_loop3A_92 : i32 to index
      %parallel_loop3A_112 = arith.constant 32 : index
      %parallel_loop3A_113 = tpu.vector_load %arg12[%parallel_loop3A_111, %parallel_loop3A_112] {strides = array<i32>} : memref<100x128xf32, #tpu.memory_space<vmem>>, vector<16xf32>,
      tpu.vector_store %arg12[%parallel_loop3A_111, %parallel_loop3A_112], %parallel_loop3A_110 {strides = array<i32>} : memref<100x128xf32, #tpu.memory_space<vmem>>, vector<16xf32>,
      %parallel_loop3A_114 = arith.index_cast %parallel_loop3A_92 : i32 to index
      %parallel_loop3A_115 = arith.constant 48 : index
      %parallel_loop3A_116 = tpu.vector_load %arg8[%parallel_loop3A_114, %parallel_loop3A_115] {strides = array<i32>} : memref<100x128xi32, #tpu.memory_space<vmem>>, vector<16xi32>,
      %parallel_loop3A_117 = tpu.vector_load_idx %arg13[%parallel_loop3A_116] : memref<65xf32, #tpu.memory_space<vmem>>[vector<16xi32>], vector<16xf32>,
      %parallel_loop3A_118 = arith.index_cast %parallel_loop3A_92 : i32 to index
      %parallel_loop3A_119 = arith.constant 48 : index
      %parallel_loop3A_120 = tpu.vector_load %arg12[%parallel_loop3A_118, %parallel_loop3A_119] {strides = array<i32>} : memref<100x128xf32, #tpu.memory_space<vmem>>, vector<16xf32>,
      tpu.vector_store %arg12[%parallel_loop3A_118, %parallel_loop3A_119], %parallel_loop3A_117 {strides = array<i32>} : memref<100x128xf32, #tpu.memory_space<vmem>>, vector<16xf32>,
      %parallel_loop3A_121 = arith.index_cast %parallel_loop3A_92 : i32 to index
      %parallel_loop3A_122 = arith.constant 64 : index
      %parallel_loop3A_123 = tpu.vector_load %arg8[%parallel_loop3A_121, %parallel_loop3A_122] {strides = array<i32>} : memref<100x128xi32, #tpu.memory_space<vmem>>, vector<16xi32>,
      %parallel_loop3A_124 = tpu.vector_load_idx %arg13[%parallel_loop3A_123] : memref<65xf32, #tpu.memory_space<vmem>>[vector<16xi32>], vector<16xf32>,
      %parallel_loop3A_125 = arith.index_cast %parallel_loop3A_92 : i32 to index
      %parallel_loop3A_126 = arith.constant 64 : index
      %parallel_loop3A_127 = tpu.vector_load %arg12[%parallel_loop3A_125, %parallel_loop3A_126] {strides = array<i32>} : memref<100x128xf32, #tpu.memory_space<vmem>>, vector<16xf32>,
      tpu.vector_store %arg12[%parallel_loop3A_125, %parallel_loop3A_126], %parallel_loop3A_124 {strides = array<i32>} : memref<100x128xf32, #tpu.memory_space<vmem>>, vector<16xf32>,
      %parallel_loop3A_128 = arith.index_cast %parallel_loop3A_92 : i32 to index
      %parallel_loop3A_129 = arith.constant 80 : index
      %parallel_loop3A_130 = tpu.vector_load %arg8[%parallel_loop3A_128, %parallel_loop3A_129] {strides = array<i32>} : memref<100x128xi32, #tpu.memory_space<vmem>>, vector<16xi32>,
      %parallel_loop3A_131 = tpu.vector_load_idx %arg13[%parallel_loop3A_130] : memref<65xf32, #tpu.memory_space<vmem>>[vector<16xi32>], vector<16xf32>,
      %parallel_loop3A_132 = arith.index_cast %parallel_loop3A_92 : i32 to index
      %parallel_loop3A_133 = arith.constant 80 : index
      %parallel_loop3A_134 = tpu.vector_load %arg12[%parallel_loop3A_132, %parallel_loop3A_133] {strides = array<i32>} : memref<100x128xf32, #tpu.memory_space<vmem>>, vector<16xf32>,
      tpu.vector_store %arg12[%parallel_loop3A_132, %parallel_loop3A_133], %parallel_loop3A_131 {strides = array<i32>} : memref<100x128xf32, #tpu.memory_space<vmem>>, vector<16xf32>,
      %parallel_loop3A_135 = arith.index_cast %parallel_loop3A_92 : i32 to index
      %parallel_loop3A_136 = arith.constant 96 : index
      %parallel_loop3A_137 = tpu.vector_load %arg8[%parallel_loop3A_135, %parallel_loop3A_136] {strides = array<i32>} : memref<100x128xi32, #tpu.memory_space<vmem>>, vector<16xi32>,
      %parallel_loop3A_138 = tpu.vector_load_idx %arg13[%parallel_loop3A_137] : memref<65xf32, #tpu.memory_space<vmem>>[vector<16xi32>], vector<16xf32>,
      %parallel_loop3A_139 = arith.index_cast %parallel_loop3A_92 : i32 to index
      %parallel_loop3A_140 = arith.constant 96 : index
      %parallel_loop3A_141 = tpu.vector_load %arg12[%parallel_loop3A_139, %parallel_loop3A_140] {strides = array<i32>} : memref<100x128xf32, #tpu.memory_space<vmem>>, vector<16xf32>,
      tpu.vector_store %arg12[%parallel_loop3A_139, %parallel_loop3A_140], %parallel_loop3A_138 {strides = array<i32>} : memref<100x128xf32, #tpu.memory_space<vmem>>, vector<16xf32>,
      %parallel_loop3A_142 = arith.index_cast %parallel_loop3A_92 : i32 to index
      %parallel_loop3A_143 = arith.constant 112 : index
      %parallel_loop3A_144 = tpu.vector_load %arg8[%parallel_loop3A_142, %parallel_loop3A_143] {strides = array<i32>} : memref<100x128xi32, #tpu.memory_space<vmem>>, vector<16xi32>,
      %parallel_loop3A_145 = tpu.vector_load_idx %arg13[%parallel_loop3A_144] : memref<65xf32, #tpu.memory_space<vmem>>[vector<16xi32>], vector<16xf32>,
      %parallel_loop3A_146 = arith.index_cast %parallel_loop3A_92 : i32 to index
      %parallel_loop3A_147 = arith.constant 112 : index
      %parallel_loop3A_148 = tpu.vector_load %arg12[%parallel_loop3A_146, %parallel_loop3A_147] {strides = array<i32>} : memref<100x128xf32, #tpu.memory_space<vmem>>, vector<16xf32>,
      tpu.vector_store %arg12[%parallel_loop3A_146, %parallel_loop3A_147], %parallel_loop3A_145 {strides = array<i32>} : memref<100x128xf32, #tpu.memory_space<vmem>>, vector<16xf32>,
    } {sc.loop_unroll_factor = 2 : i64, sc.parallel_access}
    %add3A_70 = arith.constant 384 : i32
    %add3A_71 = arith.addi %mul3A_2, %add3A_70 : i32
    %dma_start3A_72 = arith.constant 0 : i32
    %dma_start3A_73 = tpu.memref_slice %arg4[%dma_start3A_72, %add3A_71] : memref<100x16384xf32, #tpu.memory_space<hbm>> -> memref<100x128xf32, #tpu.memory_space<hbm>>
    %dma_start3A_74 = arith.constant 0 : i32
    %dma_start3A_75 = tpu.memref_slice %arg4[%dma_start3A_74, %add3A_71] : memref<100x16384xf32, #tpu.memory_space<hbm>> -> memref<100x128xf32, #tpu.memory_space<hbm>>
    tpu.enqueue_dma source(%arg12 : memref<100x128xf32, #tpu.memory_space<vmem>>) target(%dma_start3A_75 : memref<100x128xf32, #tpu.memory_space<hbm>>) target_semaphore(%arg21 : memref<!tpu.dma_semaphore, #tpu.memory_space<semaphore_mem>>)
    %dma_wait3A_76 = arith.constant 0 : i32
    %dma_wait3A_77 = tpu.memref_slice %arg4[%dma_wait3A_76, %add3A_20] : memref<100x16384xf32, #tpu.memory_space<hbm>> -> memref<100x128xf32, #tpu.memory_space<hbm>>
    %dma_wait3A_78 = arith.constant 0 : i32
    %dma_wait3A_79 = tpu.memref_slice %arg4[%dma_wait3A_78, %add3A_20] : memref<100x16384xf32, #tpu.memory_space<hbm>> -> memref<100x128xf32, #tpu.memory_space<hbm>>
    tpu.wait_dma2 semaphore(%arg18 : memref<!tpu.dma_semaphore, #tpu.memory_space<semaphore_mem>>) src(%arg9 : memref<100x128xf32, #tpu.memory_space<vmem>>) dst(%dma_wait3A_79 : memref<100x128xf32, #tpu.memory_space<hbm>>)
    %dma_wait3A_80 = arith.constant 0 : i32
    %dma_wait3A_81 = tpu.memref_slice %arg4[%dma_wait3A_80, %add3A_39] : memref<100x16384xf32, #tpu.memory_space<hbm>> -> memref<100x128xf32, #tpu.memory_space<hbm>>
    %dma_wait3A_82 = arith.constant 0 : i32
    %dma_wait3A_83 = tpu.memref_slice %arg4[%dma_wait3A_82, %add3A_39] : memref<100x16384xf32, #tpu.memory_space<hbm>> -> memref<100x128xf32, #tpu.memory_space<hbm>>
    tpu.wait_dma2 semaphore(%arg19 : memref<!tpu.dma_semaphore, #tpu.memory_space<semaphore_mem>>) src(%arg10 : memref<100x128xf32, #tpu.memory_space<vmem>>) dst(%dma_wait3A_83 : memref<100x128xf32, #tpu.memory_space<hbm>>)
    %dma_wait3A_84 = arith.constant 0 : i32
    %dma_wait3A_85 = tpu.memref_slice %arg4[%dma_wait3A_84, %add3A_58] : memref<100x16384xf32, #tpu.memory_space<hbm>> -> memref<100x128xf32, #tpu.memory_space<hbm>>
    %dma_wait3A_86 = arith.constant 0 : i32
    %dma_wait3A_87 = tpu.memref_slice %arg4[%dma_wait3A_86, %add3A_58] : memref<100x16384xf32, #tpu.memory_space<hbm>> -> memref<100x128xf32, #tpu.memory_space<hbm>>
    tpu.wait_dma2 semaphore(%arg20 : memref<!tpu.dma_semaphore, #tpu.memory_space<semaphore_mem>>) src(%arg11 : memref<100x128xf32, #tpu.memory_space<vmem>>) dst(%dma_wait3A_87 : memref<100x128xf32, #tpu.memory_space<hbm>>)
    %dma_wait3A_88 = arith.constant 0 : i32
    %dma_wait3A_89 = tpu.memref_slice %arg4[%dma_wait3A_88, %add3A_71] : memref<100x16384xf32, #tpu.memory_space<hbm>> -> memref<100x128xf32, #tpu.memory_space<hbm>>
    %dma_wait3A_90 = arith.constant 0 : i32
    %dma_wait3A_91 = tpu.memref_slice %arg4[%dma_wait3A_90, %add3A_71] : memref<100x16384xf32, #tpu.memory_space<hbm>> -> memref<100x128xf32, #tpu.memory_space<hbm>>
    tpu.wait_dma2 semaphore(%arg21 : memref<!tpu.dma_semaphore, #tpu.memory_space<semaphore_mem>>) src(%arg12 : memref<100x128xf32, #tpu.memory_space<vmem>>) dst(%dma_wait3A_91 : memref<100x128xf32, #tpu.memory_space<hbm>>)
    return
  }
}

</mosaic_0001>

<sc_bundles>
// kernel: kernel.3.cloned.1.call-start
scs
__scs_entry_jumppad:
0x0: {  	(pc) =	sbr.rel $0x88, $3  }
0x1: {  	(tag) =	ssettag $0x0;
	lr =	simm.s32 $0x1  }
0x2: {  	[smem:$0x3F9F] =	sst lr;
	_ =	strace $0xD0000000  }
0x3: {  	_ = 	snop  }
0x4: {  	_ = 	snop  }
0x5: {  	_ = 	snop  }
0x6: {  	_ = 	snop  }
0x7: {  	_ = 	snop  }
__scs_overlays_trampoline_lowered:
0x8: {  	[smem:$0x3FAE] =	sst s0  }
0x9: {  	[smem:$0x3FAF] =	sst s1  }
0xa: {  	[smem:$0x3FB0] =	sst s2  }
0xb: {  	[smem:$0x3FB1] =	sst s3  }
0xc: {  	[smem:$0x3FB2] =	sst s4  }
0xd: {  	[smem:$0x3FB3] =	sst s5  }
0xe: {  	[smem:$0x3FB4] =	sst s6  }
0xf: {  	[smem:$0x3FB5] =	sst s7  }
0x10: {  	[smem:$0x3FB6] =	sst s8  }
0x11: {  	[smem:$0x3FB7] =	sst s9;
	s0 =	simm.s32 @!p0 $0x0  }
0x12: {  	s1 =	sld [smem:$0x3F9D];
	s0 =	simm.s32 @p0 $0x1  }
0x13: {  	[smem:$0x3FB8] =	sst s0;
	s0 =	simm.s32 @!p1 $0x0  }
0x14: {  	s2 =	sld [smem:$0x3F9C];
	s0 =	simm.s32 @p1 $0x1  }
0x15: {  	[smem:$0x3FB9] =	sst s0;
	s0 =	simm.s32 @!p2 $0x0  }
0x16: {  	s3 =	sld [smem:$0x3FDB];
	s0 =	simm.s32 @p2 $0x1  }
0x17: {  	s4 =	simm.s32 $0x1BF5;
	[smem:$0x3FBB] =	sst s0  }
0x18: {  	s0 =	sld [smem:$0x3F9E];
	_ =	swait.ge [sflag:s4], $0x0  }
0x19: {  	s7 =	sld [smem:$0x3F9F]  }
0x1a: {  	s8 =	sadd.s32 $0xFFFFE003, lr  }
0x1b: {  	s9 =	sadd.s32 $0xFFFFFEF7, lr;
	s5 =	simm.s32 $0xFFFFFFFF;
	p2 =	slt.u32 s8, $0xFFFFF086  }
0x1c: {  	p1 =	slt.u32 s9, $0xF7A;
	s5 =	simm.s32 @!p2 $0x0  }
0x1d: {  	s5 =	simm.s32 @p1 $0x1;
	p0 =	seq.s32 s7, s2  }
0x1e: {  	s7 =	smul.u32 @!p0 $0xF7A, s2;
	p2 =	seq.s32 @!p0 s5, $0x0  }
0x1f: {  	s9 =	smul.u32 $0xF7A, s1;
	s8 =	simm.s32 @!p0 $0x1BF5;
	p2 =	por !p2, p0  }
0x20: {  	[sflag:s8] =	ssyncset.s32 @!p0 $0xFFFFF086;
	s6 =	sadd.s32 @!p0 s3, s7;
	s7 =	simm.s32 @!p0 $0x108  }
0x21: {  	s3 =	sadd.s32 s3, s9;
	s6 =	sadd.s32 @!p0 $0x88, s6;
	s7 =	simm.s32 @p2 $0x1082  }
0x22: {  	[simem:s7], [sflag:s8] =	dma.local @!p0 [hbm:s6], $0xF7A  }
0x23: {  	s9 =	sor.u32 $0xD0000000, s2;
	s6 =	simm.s32 $0x108;
	_ =	swait.ge @!p0 [sflag:s8], $0x0  }
0x24: {  	s3 =	sadd.s32 $0x88, s3;
	s6 =	simm.s32 @!p1 $0x1082;
	[sflag:s4] =	ssyncset.s32 $0xFFFFF086  }
0x25: {  	[simem:s6], [sflag:s4] =	dma.local [hbm:s3], $0xF7A  }
0x26: {  	[smem:$0x3F9F] =	sst s1;
	(tag) =	ssettag s2;
	_ =	strace s9  }
0x27: {  	s1 =	sld [smem:$0x3FAF]  }
0x28: {  	s2 =	sld [smem:$0x3FB0]  }
0x29: {  	s4 =	sld [smem:$0x3FB2]  }
0x2a: {  	p0 =	seq.s32 s5, $0x0;
	s5 =	sld [smem:$0x3FB3]  }
0x2b: {  	s6 =	sld [smem:$0x3FB4]  }
0x2c: {  	s7 =	sld [smem:$0x3FB5]  }
0x2d: {  	s3 =	simm.s32 $0x108;
	s8 =	sld [smem:$0x3FB6]  }
0x2e: {  	s3 =	simm.s32 @!p0 $0x1082;
	s9 =	sld [smem:$0x3FB7]  }
0x2f: {  	lr =	sadd.s32 s0, s3;
	s0 =	sld [smem:$0x3FAE]  }
0x30: {  	s3 =	sld [smem:$0x3FB1]  }
0x31: {  	[smem:$0x3FBA] =	sst s10  }
0x32: {  	s10 =	sld [smem:$0x3FB8];
	_ =	sdelay $0x3  }
0x33: {  	p0 =	seq.s32 s10, $0x1;
	s10 =	sld [smem:$0x3FBA];
	_ =	sdelay $0x3  }
0x34: {  	[smem:$0x3FBA] =	sst s10  }
0x35: {  	s10 =	sld [smem:$0x3FB9];
	_ =	sdelay $0x3  }
0x36: {  	p1 =	seq.s32 s10, $0x1;
	s10 =	sld [smem:$0x3FBA];
	_ =	sdelay $0x3  }
0x37: {  	[smem:$0x3FBA] =	sst s10  }
0x38: {  	s10 =	sld [smem:$0x3FBB]  }
0x39: {  	_ = 	snop;
	(pc) =	sbr.ind lr, $3  }
0x3a: {  	_ = 	snop  }
0x3b: {  	_ = 	snop  }
0x3c: {  	p2 =	seq.s32 s10, $0x1;
	s10 =	sld [smem:$0x3FBA]  }
0x3d: {  	_ =	shalt  }
0x3e: {  	_ =	shalt  }
0x3f: {  	_ =	shalt  }
0x40: {  	_ =	shalt  }
0x41: {  	_ =	shalt  }
0x42: {  	_ =	shalt  }
0x43: {  	_ =	shalt  }
0x44: {  	_ =	shalt  }
0x45: {  	_ =	shalt  }
0x46: {  	_ =	shalt  }
0x47: {  	_ =	shalt  }
0x48: {  	_ =	shalt  }
0x49: {  	_ =	shalt  }
0x4a: {  	_ =	shalt  }
0x4b: {  	_ =	shalt  }
0x4c: {  	_ =	shalt  }
0x4d: {  	_ =	shalt  }
0x4e: {  	_ =	shalt  }
0x4f: {  	_ =	shalt  }
0x50: {  	_ =	shalt  }
0x51: {  	_ =	shalt  }
0x52: {  	_ =	shalt  }
0x53: {  	_ =	shalt  }
0x54: {  	_ =	shalt  }
0x55: {  	_ =	shalt  }
0x56: {  	_ =	shalt  }
0x57: {  	_ =	shalt  }
0x58: {  	_ =	shalt  }
0x59: {  	_ =	shalt  }
0x5a: {  	_ =	shalt  }
0x5b: {  	_ =	shalt  }
0x5c: {  	_ =	shalt  }
0x5d: {  	_ =	shalt  }
0x5e: {  	_ =	shalt  }
0x5f: {  	_ =	shalt  }
0x60: {  	_ =	shalt  }
0x61: {  	_ =	shalt  }
0x62: {  	_ =	shalt  }
0x63: {  	_ =	shalt  }
0x64: {  	_ =	shalt  }
0x65: {  	_ =	shalt  }
0x66: {  	_ =	shalt  }
0x67: {  	_ =	shalt  }
0x68: {  	_ =	shalt  }
0x69: {  	_ =	shalt  }
0x6a: {  	_ =	shalt  }
0x6b: {  	_ =	shalt  }
0x6c: {  	_ =	shalt  }
0x6d: {  	_ =	shalt  }
0x6e: {  	_ =	shalt  }
0x6f: {  	_ =	shalt  }
0x70: {  	_ =	shalt  }
0x71: {  	_ =	shalt  }
0x72: {  	_ =	shalt  }
0x73: {  	_ =	shalt  }
0x74: {  	_ =	shalt  }
0x75: {  	_ =	shalt  }
0x76: {  	_ =	shalt  }
0x77: {  	_ =	shalt  }
0x78: {  	_ =	shalt  }
0x79: {  	_ =	shalt  }
0x7a: {  	_ =	shalt  }
0x7b: {  	_ =	shalt  }
0x7c: {  	_ =	shalt  }
0x7d: {  	_ =	shalt  }
0x7e: {  	_ =	shalt  }
0x7f: {  	_ =	shalt  }
0x80: {  	_ =	shalt  }
0x81: {  	_ =	shalt  }
0x82: {  	_ =	shalt  }
0x83: {  	_ =	shalt  }
0x84: {  	_ =	shalt  }
0x85: {  	_ =	shalt  }
0x86: {  	_ =	shalt  }
0x87: {  	_ =	shalt  }
.Lfunc_end0:
.L_simem_size_0:
called_computation_lowered:
.L_overlay_start_0:
0x88: {  	s2 =	sld [smem:$0x3FD9]  }
0x89: {  	s3 =	sld [smem:$0x3FFE];
	_ =	sdelay $0x1  }
0x8a: {  	s1 =	srdreg.scid  }
0x8b: {  	s0 =	sand.u32 $0x1, s1  }
0x8c: {  	s18 =	sshll.u32 s0, $0xA;
	s2 =	sadd.s32 s3, s2  }
0x8d: {  	s2 =	sadd.s32 s2, s18  }
0x8e: {  	[smem:$0x3FC6] =	sst s2  }
0x8f: {  	_ = 	snop  }
0x90: {  	s2 =	sld [smem:$0x3FC9]  }
0x91: {  	s19 =	sld [smem:$0x3FC8]  }
0x92: {  	s4 =	sld [smem:$0x3FD0];
	(tm) =	ssettm $0x1  }
0x93: {  	s5 =	sld [smem:$0x3FFB];
	_ =	sdelay $0x3  }
0x94: {  	_ =	strace s5  }
0x95: {  	s5 =	sld [smem:$0x3FFC];
	_ =	sdelay $0x3  }
0x96: {  	_ =	strace s5  }
0x97: {  	s5 =	sld [smem:$0x3FFD];
	_ =	sdelay $0x3  }
0x98: {  	_ =	strace s5  }
0x99: {  	_ =	strace $0x8FFFFFFF  }
0x9a: {  	s20 =	sld [smem:$0x3FDB];
	_ =	sdelay $0x1  }
0x9b: {  	s6 =	simm.s32 $_scs_section_size  }
0x9c: {  	s7 =	simm.s32 $_size__tile_overlayer_lowered;
	s8 =	simm.s32 $_tile_overlayer_lowered  }
0x9d: {  	s23 =	simm.s32 $0x1BFF;
	s22 =	sshll.u32 s8, $0x1;
	s5 =	sadd.s32 s6, s20  }
0x9e: {  	s9 =	simm.s32 $0x0;
	s21 =	sshll.u32 s7, $0x1;
	s7 =	sadd.s32 s22, s5  }
0x9f: {  	[timem:s9], [sflag:s23] =	dma.local [hbm:s7], s21  }
0xa0: {  	_ =	swait.ge [sflag:s23], s21  }
0xa1: {  	s6 =	ssub.s32 $0x0, s21;
	[sflag:s23] =	ssyncset.done $0x0  }
0xa2: {  	[sflag:s23] =	ssyncadd.s32 s6;
	_ =	sdelay $0x1  }
0xa3: {  	s24 =	simm.s32 $0x1B8B  }
0xa4: {  	_ =	swait.ge [sflag:s24], $0x1  }
0xa5: {  	[sflag:s24] =	ssyncset.done $0x0  }
0xa6: {  	s25 =	simm.s32 $0x1B8E;
	[sflag:s24] =	ssyncadd.s32 $0xFFFFFFFF  }
0xa7: {  	s26 =	simm.s32 $execute0_lowered;
	[smem:$0x3FD2] =	sst s25  }
0xa8: {  	s6 =	sshll.u32 s26, $0x1;
	_ =	strace $0x80000046;
	[dreg:$0x1] =	wrdreg $0xFFFFFFFF  }
0xa9: {  	s28 =	simm.s32 $_size_execute0_lowered;
	s5 =	sadd.s32 s5, s6;
	[dreg:$0x0] =	wrdreg $0x0  }
0xaa: {  	s6 =	sshll.u32 s28, $0x1;
	[dreg:$0x2] =	wrdreg s5  }
0xab: {  	[dreg:$0x3] =	wrdreg s6  }
0xac: {  	[dreg:$0x4] =	wrdreg $0xC0  }
0xad: {  	_ =	task [dreg:s9], $0x5FFFF  }
0xae: {  	[dreg:$0x1] =	wrdreg $0xFFFFFFFF  }
0xaf: {  	[dreg:$0x0] =	wrdreg $0x60  }
0xb0: {  	[dreg:$0x2] =	wrdreg s2  }
0xb1: {  	[dreg:$0x3] =	wrdreg s19  }
0xb2: {  	[dreg:$0x4] =	wrdreg s4  }
0xb3: {  	[dreg:$0x5] =	wrdreg $0x9  }
0xb4: {  	_ =	task.clear_ibuf [dreg:s9], $0x6FFFF;
	_ =	strace $0x90000046  }
0xb5: {  	s29 =	simm.s32 $0x9;
	_ =	strace $0x80000048  }
0xb6: {  	_ =	swait.ge [sflag:s29], $0x1  }
0xb7: {  	[sflag:s29] =	ssyncadd.s32 $0xFFFFFFFF  }
0xb8: {  	_ =	strace $0x90000048  }
0xb9: {  	_ =	sfence  }
0xba: {  	s30 =	sld [smem:$0x0];
	_ =	sdelay $0x2  }
0xbb: {  	s31 =	sshll.u32 s1, $0xD;
	s1 =	sshrl.u32 s1, $0x2  }
0xbc: {  	s3 =	sand.u32 $0x4000, s31;
	s1 =	sadd.s32 s1, s30  }
0xbd: {  	s0 =	sor.u32 s3, s0;
	s1 =	sshll.u32 s1, $0x11  }
0xbe: {  	s0 =	sor.u32 s1, s0  }
0xbf: {  	s0 =	sadd.s32 $0x8F2B, s0  }
0xc0: {  	[sflag:s0] =	ssyncadd.remote.s32 $0x1  }
0xc1: {  	_ =	sfence.sel $0xFFFF  }
0xc2: {  	[dreg:$0x0] =	wrdreg $0xFFFFFFFF;
	(pc) =	sbr.abs _section_cstart, $3  }
0xc3: {  	[dreg:$0x1] =	wrdreg $0xFFFFFFFF  }
0xc4: {  	_ =	task.clear_ibuf [dreg:s9], $0x2FFFF;
	_ =	strace $0x9FFFFFFF  }
0xc5: {  	(tm) =	ssettm $0x7FFFFFFF  }
tec
execute0_lowered:
.L_overlay_start_1:
0x0: {  	(tag) =	ssettag $0x1  }
0x1: {  	s0 =	rddreg [dreg:$0x0]  }
0x2: {  	s1 =	rddreg [dreg:$0x2];
	s2 =	srdreg.scid  }
0x3: {  	s4 =	stileid.u32;
	s3 =	simm.s32 $0x0;
	s14 =	simm.s32 $0x400  }
0x4: {  	s15 =	simm.s32 $0x20000;
	s17 =	simm.s32 $0x1A000;
	s18 =	simm.s32 $0x9  }
0x5: {  	s22 =	simm.s32 $0x1;
	s28 =	simm.s32 $0x2;
	s19 =	simm.s32 $0x4  }
0x6: {  	s29 =	simm.s32 $0x8;
	s30 =	simm.s32 $0x0;
	s2 =	sand.u32 $0x1, s2  }
0x7: {  	s4 =	sshll.u32 s4, $0xA;
	s5 =	sshll.u32 s2, $0x9;
	s2 =	ssub.s32 $0x2, s2  }
0x8: {  	[smem:$0x7FF] =	sst s3;
	s4 =	sor.u32 s5, s4;
	s23 =	sshrl.u32 s2, $0x1  }
0x9: {  	_ =	strace $0x80000047;
	s6 =	sadd.s32 s0, s4;
	s2 =	ssub.s32 s2, s23  }
0xa: {  	s25 =	sor.u32 $0x80, s4;
	s7 =	sadd.s32 s1, s4;
	s11 =	sor.u32 $0x100, s4  }
0xb: {  	s4 =	sor.u32 $0x180, s4;
	[dreg:$0x4] =	wrdreg s6;
	s24 =	sadd.s32 $0x30000, s6  }
0xc: {  	s6 =	sadd.s32 s0, s25;
	s8 =	sadd.s32 s0, s11;
	s9 =	sadd.s32 s1, s25  }
0xd: {  	s10 =	sadd.s32 s0, s4;
	s11 =	sadd.s32 s1, s11;
	s12 =	sadd.s32 s1, s4  }
0xe: {  	s26 =	smax.u32 s2, $0x1;
	s1 =	simm.s32 $0x3;
	[dreg:$0x5] =	wrdreg s24  }
0xf: {  	s25 =	simm.s32 $0x6;
	[dreg:$0x6] =	wrdreg s26;
	s31 =	sadd.s32 $0x30000, s6  }
0x10: {  	s24 =	simm.s32 $0x5;
	s26 =	simm.s32 $0x7;
	[dreg:$0x7] =	wrdreg s31  }
.LBB2_1:
0x11: {  	s0 =	rddreg [dreg:$0x4]  }
0x12: {  	[tilespmem:s3], [sflag:$0x1] =	stream.strided.gather [hbm4b:s0+s14], $0x3000, s15, s14, $0x38;
	[tilespmem:$0x1A080] =	vst v63  }
0x13: {  	s13 =	rddreg [dreg:$0x5];
	s2 =	simm.s32 $0x3000  }
0x14: {  	[tilespmem:s2], [sflag:$0x1] =	stream.linear.gather [hbm4b:s13+s3], $0x200, $0x38;
	[tilespmem:$0x1A080] =	vst v63  }
0x15: {  	s16 =	rddreg [dreg:$0x1]  }
0x16: {  	[tilespmem:s17], [sflag:$0x9] =	stream.linear.gather [hbm4b:s16+s3], $0x80, $0x38;
	[tilespmem:$0x1A080] =	vst v63  }
0x17: {  	_ =	swait.ge [sflag:s18], $0x80  }
0x18: {  	[sflag:s18] =	ssyncset.done $0x0  }
0x19: {  	s20 =	simm.s32 $0x3400;
	[sflag:s18] =	ssyncadd.s32 $0xFFFFFF80  }
0x1a: {  	[tilespmem:s20], [sflag:$0x2] =	stream.strided.gather [hbm4b:s6+s14], $0x3000, s15, s14, $0x38;
	[tilespmem:$0x1A080] =	vst v63  }
0x1b: {  	s23 =	simm.s32 $0x6400;
	s21 =	rddreg [dreg:$0x7]  }
0x1c: {  	[tilespmem:s23], [sflag:$0x2] =	stream.linear.gather [hbm4b:s21+s3], $0x200, $0x38;
	[tilespmem:$0x1A080] =	vst v63  }
0x1d: {  	_ =	swait.ge [sflag:s22], $0x3200  }
0x1e: {  	[sflag:s22] =	ssyncset.done $0x0  }
0x1f: {  	s13 =	simm.s32 $0x80;
	[sflag:s22] =	ssyncadd.s32 $0xFFFFCE00  }
0x20: {  	v0 =	vld [tilespmem:s13+$0x0];
	_ =	sdelay $0x1  }
0x21: {  	v1 =	vld [tilespmem:s13+$0xFFFFFF80];
	_ =	sdelay $0x5  }
0x22: {  	v0 =	vld.idx.msk [tilespmem:v0+s17+$0x0], $0xffff;
	_ =	sdelay $0x1  }
0x23: {  	v1 =	vld.idx.msk [tilespmem:v1+s17+$0x0], $0xffff;
	_ =	sdelay $0x1  }
0x24: {  	s31 =	simm.s32 $0xD080  }
0x25: {  	[tilespmem:s31+$0x0] =	vst v0  }
0x26: {  	v0 =	vld [tilespmem:s13+$0x10]  }
0x27: {  	[tilespmem:s31+$0xFFFFFF80] =	vst v1  }
0x28: {  	v1 =	vld [tilespmem:s13+$0xFFFFFF90];
	_ =	sdelay $0x3  }
0x29: {  	s2 =	simm.s32 $0x180  }
0x2a: {  	v2 =	vld [tilespmem:s2+$0x0]  }
0x2b: {  	v0 =	vld.idx.msk [tilespmem:v0+s17+$0x0], $0xffff;
	_ =	sdelay $0x1  }
0x2c: {  	v1 =	vld.idx.msk [tilespmem:v1+s17+$0x0], $0xffff;
	_ =	sdelay $0x2  }
0x2d: {  	[tilespmem:s31+$0x10] =	vst v0  }
0x2e: {  	v0 =	vld [tilespmem:s13+$0x20]  }
0x2f: {  	[tilespmem:s31+$0xFFFFFF90] =	vst v1;
	v1 =	vld.idx.msk [tilespmem:v2+s17+$0x0], $0xffff  }
0x30: {  	v3 =	vld [tilespmem:s2+$0xFFFFFF80];
	_ =	sdelay $0x1  }
0x31: {  	v2 =	vld [tilespmem:s13+$0xFFFFFFA0]  }
0x32: {  	s0 =	simm.s32 $0xD180  }
0x33: {  	[tilespmem:s0+$0x0] =	vst v1  }
0x34: {  	v1 =	vld [tilespmem:s2+$0x10]  }
0x35: {  	v0 =	vld.idx.msk [tilespmem:v0+s17+$0x0], $0xffff;
	_ =	sdelay $0x1  }
0x36: {  	v3 =	vld.idx.msk [tilespmem:v3+s17+$0x0], $0xffff;
	_ =	sdelay $0x1  }
0x37: {  	v2 =	vld.idx.msk [tilespmem:v2+s17+$0x0], $0xffff  }
0x38: {  	[tilespmem:s31+$0x20] =	vst v0  }
0x39: {  	v0 =	vld [tilespmem:s13+$0x30]  }
0x3a: {  	[tilespmem:s0+$0xFFFFFF80] =	vst v3;
	v1 =	vld.idx.msk [tilespmem:v1+s17+$0x0], $0xffff  }
0x3b: {  	v3 =	vld [tilespmem:s2+$0xFFFFFF90]  }
0x3c: {  	[tilespmem:s31+$0xFFFFFFA0] =	vst v2  }
0x3d: {  	v2 =	vld [tilespmem:s13+$0xFFFFFFB0];
	_ =	sdelay $0x1  }
0x3e: {  	[tilespmem:s0+$0x10] =	vst v1  }
0x3f: {  	v1 =	vld [tilespmem:s2+$0x20]  }
0x40: {  	s16 =	simm.s32 $0x280;
	v0 =	vld.idx.msk [tilespmem:v0+s17+$0x0], $0xffff  }
0x41: {  	v4 =	vld [tilespmem:s16+$0x0]  }
0x42: {  	v3 =	vld.idx.msk [tilespmem:v3+s17+$0x0], $0xffff  }
0x43: {  	v5 =	vld [tilespmem:s16+$0xFFFFFF80]  }
0x44: {  	v2 =	vld.idx.msk [tilespmem:v2+s17+$0x0], $0xffff  }
0x45: {  	[tilespmem:s31+$0x30] =	vst v0  }
0x46: {  	v0 =	vld [tilespmem:s13+$0x40]  }
0x47: {  	[tilespmem:s0+$0xFFFFFF90] =	vst v3;
	v1 =	vld.idx.msk [tilespmem:v1+s17+$0x0], $0xffff  }
0x48: {  	v3 =	vld [tilespmem:s2+$0xFFFFFFA0]  }
0x49: {  	v4 =	vld.idx.msk [tilespmem:v4+s17+$0x0], $0xffff;
	[tilespmem:s31+$0xFFFFFFB0] =	vst v2  }
0x4a: {  	v2 =	vld [tilespmem:s13+$0xFFFFFFC0]  }
0x4b: {  	s23 =	simm.s32 $0x380;
	v5 =	vld.idx.msk [tilespmem:v5+s17+$0x0], $0xffff  }
0x4c: {  	v6 =	vld [tilespmem:s23+$0x0];
	[tilespmem:s0+$0x20] =	vst v1  }
0x4d: {  	s21 =	simm.s32 $0xD280;
	v1 =	vld [tilespmem:s2+$0x30]  }
0x4e: {  	[tilespmem:s21+$0x0] =	vst v4;
	v0 =	vld.idx.msk [tilespmem:v0+s17+$0x0], $0xffff  }
0x4f: {  	v4 =	vld [tilespmem:s16+$0x10]  }
0x50: {  	[tilespmem:s21+$0xFFFFFF80] =	vst v5;
	v3 =	vld.idx.msk [tilespmem:v3+s17+$0x0], $0xffff  }
0x51: {  	v5 =	vld [tilespmem:s16+$0xFFFFFF90]  }
0x52: {  	v2 =	vld.idx.msk [tilespmem:v2+s17+$0x0], $0xffff  }
0x53: {  	v7 =	vld [tilespmem:s23+$0xFFFFFF80];
	[tilespmem:s31+$0x40] =	vst v0  }
0x54: {  	v0 =	vld [tilespmem:s13+$0x50]  }
0x55: {  	[tilespmem:s0+$0xFFFFFFA0] =	vst v3;
	v1 =	vld.idx.msk [tilespmem:v1+s17+$0x0], $0xffff  }
0x56: {  	v3 =	vld [tilespmem:s2+$0xFFFFFFB0]  }
0x57: {  	v4 =	vld.idx.msk [tilespmem:v4+s17+$0x0], $0xffff;
	[tilespmem:s31+$0xFFFFFFC0] =	vst v2  }
0x58: {  	v2 =	vld [tilespmem:s13+$0xFFFFFFD0]  }
0x59: {  	v5 =	vld.idx.msk [tilespmem:v5+s17+$0x0], $0xffff  }
0x5a: {  	v6 =	vld.idx.msk [tilespmem:v6+s17+$0x0], $0xffff;
	[tilespmem:s0+$0x30] =	vst v1  }
0x5b: {  	v1 =	vld [tilespmem:s2+$0x40]  }
0x5c: {  	[tilespmem:s21+$0x10] =	vst v4;
	v0 =	vld.idx.msk [tilespmem:v0+s17+$0x0], $0xffff  }
0x5d: {  	v4 =	vld [tilespmem:s16+$0x20]  }
0x5e: {  	[tilespmem:s21+$0xFFFFFF90] =	vst v5;
	v3 =	vld.idx.msk [tilespmem:v3+s17+$0x0], $0xffff  }
0x5f: {  	v5 =	vld [tilespmem:s16+$0xFFFFFFA0]  }
0x60: {  	v2 =	vld.idx.msk [tilespmem:v2+s17+$0x0], $0xffff  }
0x61: {  	v7 =	vld.idx.msk [tilespmem:v7+s17+$0x0], $0xffff;
	[tilespmem:s31+$0x50] =	vst v0  }
0x62: {  	v0 =	vld [tilespmem:s13+$0x60]  }
0x63: {  	s5 =	simm.s32 $0xD380;
	[tilespmem:s0+$0xFFFFFFB0] =	vst v3;
	v1 =	vld.idx.msk [tilespmem:v1+s17+$0x0], $0xffff  }
0x64: {  	[tilespmem:s5+$0x0] =	vst v6;
	v3 =	vld [tilespmem:s2+$0xFFFFFFC0]  }
0x65: {  	[tilespmem:s31+$0xFFFFFFD0] =	vst v2;
	v2 =	vld.idx.msk [tilespmem:v4+s17+$0x0], $0xffff  }
0x66: {  	v6 =	vld [tilespmem:s23+$0x10]  }
0x67: {  	v4 =	vld [tilespmem:s13+$0xFFFFFFE0]  }
0x68: {  	v5 =	vld.idx.msk [tilespmem:v5+s17+$0x0], $0xffff;
	[tilespmem:s0+$0x40] =	vst v1  }
0x69: {  	v1 =	vld [tilespmem:s2+$0x50]  }
0x6a: {  	[tilespmem:s21+$0x20] =	vst v2;
	v0 =	vld.idx.msk [tilespmem:v0+s17+$0x0], $0xffff  }
0x6b: {  	v2 =	vld [tilespmem:s16+$0x30]  }
0x6c: {  	[tilespmem:s5+$0xFFFFFF80] =	vst v7;
	v3 =	vld.idx.msk [tilespmem:v3+s17+$0x0], $0xffff  }
0x6d: {  	v8 =	vld [tilespmem:s23+$0xFFFFFF90];
	[tilespmem:s21+$0xFFFFFFA0] =	vst v5  }
0x6e: {  	v9 =	vld [tilespmem:s16+$0xFFFFFFB0]  }
0x6f: {  	v4 =	vld.idx.msk [tilespmem:v4+s17+$0x0], $0xffff;
	[tilespmem:s31+$0x60] =	vst v0  }
0x70: {  	v0 =	vld [tilespmem:s13+$0x70]  }
0x71: {  	[tilespmem:s0+$0xFFFFFFC0] =	vst v3;
	v1 =	vld.idx.msk [tilespmem:v1+s17+$0x0], $0xffff  }
0x72: {  	v10 =	vld [tilespmem:s2+$0xFFFFFFD0]  }
0x73: {  	v2 =	vld.idx.msk [tilespmem:v2+s17+$0x0], $0xffff  }
0x74: {  	[tilespmem:s31+$0xFFFFFFE0] =	vst v4;
	v4 =	vld.idx.msk [tilespmem:v6+s17+$0x0], $0xffff;
	_ =	sdelay $0x1  }
0x75: {  	v5 =	vld.idx.msk [tilespmem:v8+s17+$0x0], $0xffff;
	[tilespmem:s0+$0x50] =	vst v1  }
0x76: {  	v1 =	vld [tilespmem:s2+$0x60]  }
0x77: {  	[tilespmem:s21+$0x30] =	vst v2;
	v7 =	vld.idx.msk [tilespmem:v0+s17+$0x0], $0xffff  }
0x78: {  	[tilespmem:s5+$0x10] =	vst v4;
	v4 =	vld.idx.msk [tilespmem:v9+s17+$0x0], $0xffff  }
0x79: {  	v3 =	vld [tilespmem:s16+$0x40]  }
0x7a: {  	v2 =	vld.idx.msk [tilespmem:v10+s17+$0x0], $0xffff  }
0x7b: {  	v6 =	vld [tilespmem:s23+$0x20]  }
0x7c: {  	s20 =	simm.s32 $0x480;
	v0 =	vld [tilespmem:s13+$0xFFFFFFF0];
	s13 =	simm.s32 $0x6;
	[tilespmem:s31+$0x70] =	vst v7  }
.LBB2_2:
0x7d: {  	v7 =	vld [tilespmem:s20+$0x0];
	s13 =	sadd.s32 $0x2, s13;
	s4 =	smov.u32 s21;
	s21 =	smov.u32 s5  }
0x7e: {  	v8 =	vld [tilespmem:s20+$0xFFFFFF80];
	p0 =	slt.u32 s13, $0x62;
	[tilespmem:s5+$0xFFFFFF90] =	vst v5  }
0x7f: {  	v1 =	vld.idx.msk [tilespmem:v1+s17+$0x0], $0xffff  }
0x80: {  	v5 =	vld [tilespmem:s23+$0xFFFFFFA0];
	[tilespmem:s4+$0xFFFFFFB0] =	vst v4  }
0x81: {  	v3 =	vld.idx.msk [tilespmem:v3+s17+$0x0], $0xffff  }
0x82: {  	v4 =	vld [tilespmem:s16+$0xFFFFFFC0];
	[tilespmem:s0+$0xFFFFFFD0] =	vst v2  }
0x83: {  	v2 =	vld.idx.msk [tilespmem:v6+s17+$0x0], $0xffff  }
0x84: {  	v6 =	vld [tilespmem:s2+$0xFFFFFFE0]  }
0x85: {  	v7 =	vld.idx.msk [tilespmem:v7+s17+$0x0], $0xffff;
	[tilespmem:s0+$0x60] =	vst v1  }
0x86: {  	v1 =	vld [tilespmem:s2+$0x70]  }
0x87: {  	v8 =	vld.idx.msk [tilespmem:v8+s17+$0x0], $0xffff;
	[tilespmem:s4+$0x40] =	vst v3  }
0x88: {  	v3 =	vld [tilespmem:s16+$0x50]  }
0x89: {  	v5 =	vld.idx.msk [tilespmem:v5+s17+$0x0], $0xffff;
	[tilespmem:s5+$0x20] =	vst v2  }
0x8a: {  	s5 =	sadd.s32 $0x100, s5;
	v2 =	vld [tilespmem:s23+$0x30]  }
0x8b: {  	[tilespmem:s5+$0x0] =	vst v7;
	v4 =	vld.idx.msk [tilespmem:v4+s17+$0x0], $0xffff  }
0x8c: {  	v7 =	vld [tilespmem:s20+$0x10]  }
0x8d: {  	[tilespmem:s5+$0xFFFFFF80] =	vst v8;
	v6 =	vld.idx.msk [tilespmem:v6+s17+$0x0], $0xffff  }
0x8e: {  	v1 =	vld.idx.msk [tilespmem:v1+s17+$0x0], $0xffff  }
0x8f: {  	v8 =	vld [tilespmem:s20+$0xFFFFFF90];
	[tilespmem:s21+$0xFFFFFFA0] =	vst v5  }
0x90: {  	v3 =	vld.idx.msk [tilespmem:v3+s17+$0x0], $0xffff  }
0x91: {  	v9 =	vld [tilespmem:s23+$0xFFFFFFB0];
	[tilespmem:s4+$0xFFFFFFC0] =	vst v4  }
0x92: {  	v2 =	vld.idx.msk [tilespmem:v2+s17+$0x0], $0xffff  }
0x93: {  	v10 =	vld [tilespmem:s16+$0xFFFFFFD0];
	[tilespmem:s0+$0xFFFFFFE0] =	vst v6  }
0x94: {  	v4 =	vld.idx.msk [tilespmem:v7+s17+$0x0], $0xffff;
	[tilespmem:s0+$0x70] =	vst v1  }
0x95: {  	v6 =	vld [tilespmem:s2+$0xFFFFFFF0];
	s2 =	smov.u32 s16;
	s16 =	smov.u32 s23;
	s23 =	smov.u32 s20  }
0x96: {  	[tilespmem:s4+$0x50] =	vst v3;
	v7 =	vld.idx.msk [tilespmem:v0+s17+$0x0], $0xffff  }
0x97: {  	v1 =	vld [tilespmem:s2+$0x60]  }
.Ltmp0:
0x98: {  	v5 =	vld.idx.msk [tilespmem:v8+s17+$0x0], $0xffff;
	[tilespmem:s21+$0x30] =	vst v2;
	(pc) =	sbr.rel @p0 .LBB2_2-.Ltmp0, $4  }
0x99: {  	v3 =	vld [tilespmem:s16+$0x40]  }
0x9a: {  	[tilespmem:s5+$0x10] =	vst v4;
	v4 =	vld.idx.msk [tilespmem:v9+s17+$0x0], $0xffff;
	v0 =	vmov v6  }
0x9b: {  	v6 =	vld [tilespmem:s20+$0x20]  }
0x9c: {  	s20 =	sadd.s32 $0x100, s20;
	v2 =	vld.idx.msk [tilespmem:v10+s17+$0x0], $0xffff;
	[tilespmem:s31+$0xFFFFFFF0] =	vst v7;
	s31 =	smov.u32 s0;
	s0 =	smov.u32 s4  }
0x9d: {  	[tilespmem:s5+$0xFFFFFF90] =	vst v5  }
0x9e: {  	v5 =	vld [tilespmem:s23+$0xFFFFFFA0];
	_ =	sdelay $0x6  }
0x9f: {  	v6 =	vld.idx.msk [tilespmem:v6+s17+$0x0], $0xffff  }
0xa0: {  	v5 =	vld.idx.msk [tilespmem:v5+s17+$0x0], $0xffff;
	_ =	sdelay $0x3  }
0xa1: {  	[tilespmem:s5+$0x20] =	vst v6  }
0xa2: {  	v6 =	vld [tilespmem:s23+$0x30];
	[tilespmem:s5+$0xFFFFFFA0] =	vst v5  }
0xa3: {  	v5 =	vld [tilespmem:s23+$0xFFFFFFB0];
	_ =	sdelay $0x6  }
0xa4: {  	v6 =	vld.idx.msk [tilespmem:v6+s17+$0x0], $0xffff  }
0xa5: {  	v5 =	vld.idx.msk [tilespmem:v5+s17+$0x0], $0xffff;
	_ =	sdelay $0x2  }
0xa6: {  	[tilespmem:s21+$0xFFFFFFB0] =	vst v4  }
0xa7: {  	[tilespmem:s5+$0x30] =	vst v6;
	v6 =	vld [tilespmem:s16+$0xFFFFFFC0]  }
0xa8: {  	v4 =	vld [tilespmem:s23+$0x40];
	[tilespmem:s5+$0xFFFFFFB0] =	vst v5  }
0xa9: {  	v5 =	vld [tilespmem:s23+$0xFFFFFFC0];
	_ =	sdelay $0x4  }
0xaa: {  	v3 =	vld.idx.msk [tilespmem:v3+s17+$0x0], $0xffff  }
0xab: {  	v6 =	vld.idx.msk [tilespmem:v6+s17+$0x0], $0xffff  }
0xac: {  	v4 =	vld.idx.msk [tilespmem:v4+s17+$0x0], $0xffff  }
0xad: {  	v5 =	vld.idx.msk [tilespmem:v5+s17+$0x0], $0xffff;
	_ =	sdelay $0x1  }
0xae: {  	[tilespmem:s21+$0x40] =	vst v3  }
0xaf: {  	v3 =	vld [tilespmem:s16+$0x50];
	[tilespmem:s21+$0xFFFFFFC0] =	vst v6  }
0xb0: {  	[tilespmem:s5+$0x40] =	vst v4;
	v6 =	vld [tilespmem:s16+$0xFFFFFFD0]  }
0xb1: {  	v4 =	vld [tilespmem:s23+$0x50];
	[tilespmem:s5+$0xFFFFFFC0] =	vst v5  }
0xb2: {  	v5 =	vld [tilespmem:s23+$0xFFFFFFD0];
	_ =	sdelay $0x4  }
0xb3: {  	v3 =	vld.idx.msk [tilespmem:v3+s17+$0x0], $0xffff  }
0xb4: {  	v6 =	vld.idx.msk [tilespmem:v6+s17+$0x0], $0xffff  }
0xb5: {  	v4 =	vld.idx.msk [tilespmem:v4+s17+$0x0], $0xffff  }
0xb6: {  	v5 =	vld.idx.msk [tilespmem:v5+s17+$0x0], $0xffff  }
0xb7: {  	v1 =	vld.idx.msk [tilespmem:v1+s17+$0x0], $0xffff;
	[tilespmem:s0+$0xFFFFFFD0] =	vst v2  }
0xb8: {  	[tilespmem:s21+$0x50] =	vst v3;
	v3 =	vld [tilespmem:s2+$0xFFFFFFE0]  }
0xb9: {  	v2 =	vld [tilespmem:s16+$0x60];
	[tilespmem:s21+$0xFFFFFFD0] =	vst v6  }
0xba: {  	[tilespmem:s5+$0x50] =	vst v4;
	v6 =	vld [tilespmem:s16+$0xFFFFFFE0]  }
0xbb: {  	v4 =	vld [tilespmem:s23+$0x60];
	[tilespmem:s5+$0xFFFFFFD0] =	vst v5  }
0xbc: {  	v5 =	vld [tilespmem:s23+$0xFFFFFFE0];
	_ =	sdelay $0x1  }
0xbd: {  	[tilespmem:s0+$0x60] =	vst v1  }
0xbe: {  	v1 =	vld [tilespmem:s2+$0x70]  }
0xbf: {  	v3 =	vld.idx.msk [tilespmem:v3+s17+$0x0], $0xffff  }
0xc0: {  	v2 =	vld.idx.msk [tilespmem:v2+s17+$0x0], $0xffff  }
0xc1: {  	v6 =	vld.idx.msk [tilespmem:v6+s17+$0x0], $0xffff  }
0xc2: {  	v4 =	vld.idx.msk [tilespmem:v4+s17+$0x0], $0xffff  }
0xc3: {  	v5 =	vld.idx.msk [tilespmem:v5+s17+$0x0], $0xffff  }
0xc4: {  	[tilespmem:s0+$0xFFFFFFE0] =	vst v3  }
0xc5: {  	[tilespmem:s21+$0x60] =	vst v2;
	v3 =	vld [tilespmem:s2+$0xFFFFFFF0]  }
0xc6: {  	v2 =	vld [tilespmem:s16+$0x70];
	[tilespmem:s21+$0xFFFFFFE0] =	vst v6  }
0xc7: {  	[tilespmem:s5+$0x60] =	vst v4;
	v6 =	vld [tilespmem:s16+$0xFFFFFFF0]  }
0xc8: {  	v4 =	vld [tilespmem:s23+$0x70];
	[tilespmem:s5+$0xFFFFFFE0] =	vst v5  }
0xc9: {  	v5 =	vld [tilespmem:s23+$0xFFFFFFF0]  }
0xca: {  	v1 =	vld.idx.msk [tilespmem:v1+s17+$0x0], $0xffff;
	_ =	sdelay $0x1  }
0xcb: {  	v0 =	vld.idx.msk [tilespmem:v0+s17+$0x0], $0xffff  }
0xcc: {  	v3 =	vld.idx.msk [tilespmem:v3+s17+$0x0], $0xffff  }
0xcd: {  	v2 =	vld.idx.msk [tilespmem:v2+s17+$0x0], $0xffff  }
0xce: {  	[tilespmem:s0+$0x70] =	vst v1;
	v1 =	vld.idx.msk [tilespmem:v6+s17+$0x0], $0xffff  }
0xcf: {  	v4 =	vld.idx.msk [tilespmem:v4+s17+$0x0], $0xffff  }
0xd0: {  	[tilespmem:s31+$0xFFFFFFF0] =	vst v0;
	v0 =	vld.idx.msk [tilespmem:v5+s17+$0x0], $0xffff  }
0xd1: {  	[tilespmem:s0+$0xFFFFFFF0] =	vst v3  }
0xd2: {  	[tilespmem:s21+$0x70] =	vst v2  }
0xd3: {  	[tilespmem:s21+$0xFFFFFFF0] =	vst v1  }
0xd4: {  	[tilespmem:s5+$0x70] =	vst v4  }
0xd5: {  	[tilespmem:s5+$0xFFFFFFF0] =	vst v0;
	s5 =	simm.s32 $0xD000  }
0xd6: {  	[hbm4b:s7+s14] =	stream.strided.scatter [tilespmem:s5], [sflag:$0x5], $0x3000, s15, s14, $0x38;
	[tilespmem:$0x1A080] =	vst v63  }
0xd7: {  	s13 =	sadd.s32 $0x30000, s7;
	s16 =	simm.s32 $0x10000  }
0xd8: {  	[hbm4b:s13+s3] =	stream.linear.scatter [tilespmem:s16], [sflag:$0x5], $0x200, $0x38;
	[tilespmem:$0x1A080] =	vst v63  }
0xd9: {  	s20 =	simm.s32 $0x6800  }
0xda: {  	[tilespmem:s20], [sflag:$0x3] =	stream.strided.gather [hbm4b:s8+s14], $0x3000, s15, s14, $0x38;
	[tilespmem:$0x1A080] =	vst v63  }
0xdb: {  	s23 =	simm.s32 $0x9800;
	s21 =	sadd.s32 $0x30000, s8  }
0xdc: {  	[tilespmem:s23], [sflag:$0x3] =	stream.linear.gather [hbm4b:s21+s3], $0x200, $0x38;
	[tilespmem:$0x1A080] =	vst v63  }
0xdd: {  	_ =	swait.ge [sflag:s28], $0x3200  }
0xde: {  	[sflag:s28] =	ssyncset.done $0x0  }
0xdf: {  	s13 =	simm.s32 $0x3480;
	[sflag:s28] =	ssyncadd.s32 $0xFFFFCE00  }
0xe0: {  	v0 =	vld [tilespmem:s13+$0x0];
	_ =	sdelay $0x1  }
0xe1: {  	v1 =	vld [tilespmem:s13+$0xFFFFFF80];
	_ =	sdelay $0x5  }
0xe2: {  	v0 =	vld.idx.msk [tilespmem:v0+s17+$0x0], $0xffff;
	_ =	sdelay $0x1  }
0xe3: {  	v1 =	vld.idx.msk [tilespmem:v1+s17+$0x0], $0xffff;
	_ =	sdelay $0x1  }
0xe4: {  	s31 =	simm.s32 $0x10480  }
0xe5: {  	[tilespmem:s31+$0x0] =	vst v0  }
0xe6: {  	v0 =	vld [tilespmem:s13+$0x10]  }
0xe7: {  	[tilespmem:s31+$0xFFFFFF80] =	vst v1  }
0xe8: {  	v1 =	vld [tilespmem:s13+$0xFFFFFF90];
	_ =	sdelay $0x3  }
0xe9: {  	s2 =	simm.s32 $0x3580  }
0xea: {  	v2 =	vld [tilespmem:s2+$0x0]  }
0xeb: {  	v0 =	vld.idx.msk [tilespmem:v0+s17+$0x0], $0xffff;
	_ =	sdelay $0x1  }
0xec: {  	v1 =	vld.idx.msk [tilespmem:v1+s17+$0x0], $0xffff;
	_ =	sdelay $0x2  }
0xed: {  	[tilespmem:s31+$0x10] =	vst v0  }
0xee: {  	v0 =	vld [tilespmem:s13+$0x20]  }
0xef: {  	[tilespmem:s31+$0xFFFFFF90] =	vst v1;
	v1 =	vld.idx.msk [tilespmem:v2+s17+$0x0], $0xffff  }
0xf0: {  	v3 =	vld [tilespmem:s2+$0xFFFFFF80];
	_ =	sdelay $0x1  }
0xf1: {  	v2 =	vld [tilespmem:s13+$0xFFFFFFA0]  }
0xf2: {  	s0 =	simm.s32 $0x10580  }
0xf3: {  	[tilespmem:s0+$0x0] =	vst v1  }
0xf4: {  	v1 =	vld [tilespmem:s2+$0x10]  }
0xf5: {  	v0 =	vld.idx.msk [tilespmem:v0+s17+$0x0], $0xffff;
	_ =	sdelay $0x1  }
0xf6: {  	v3 =	vld.idx.msk [tilespmem:v3+s17+$0x0], $0xffff;
	_ =	sdelay $0x1  }
0xf7: {  	v2 =	vld.idx.msk [tilespmem:v2+s17+$0x0], $0xffff  }
0xf8: {  	[tilespmem:s31+$0x20] =	vst v0  }
0xf9: {  	v0 =	vld [tilespmem:s13+$0x30]  }
0xfa: {  	[tilespmem:s0+$0xFFFFFF80] =	vst v3;
	v1 =	vld.idx.msk [tilespmem:v1+s17+$0x0], $0xffff  }
0xfb: {  	v3 =	vld [tilespmem:s2+$0xFFFFFF90]  }
0xfc: {  	[tilespmem:s31+$0xFFFFFFA0] =	vst v2  }
0xfd: {  	v2 =	vld [tilespmem:s13+$0xFFFFFFB0];
	_ =	sdelay $0x1  }
0xfe: {  	[tilespmem:s0+$0x10] =	vst v1  }
0xff: {  	v1 =	vld [tilespmem:s2+$0x20]  }
0x100: {  	s16 =	simm.s32 $0x3680;
	v0 =	vld.idx.msk [tilespmem:v0+s17+$0x0], $0xffff  }
0x101: {  	v4 =	vld [tilespmem:s16+$0x0]  }
0x102: {  	v3 =	vld.idx.msk [tilespmem:v3+s17+$0x0], $0xffff  }
0x103: {  	v5 =	vld [tilespmem:s16+$0xFFFFFF80]  }
0x104: {  	v2 =	vld.idx.msk [tilespmem:v2+s17+$0x0], $0xffff  }
0x105: {  	[tilespmem:s31+$0x30] =	vst v0  }
0x106: {  	v0 =	vld [tilespmem:s13+$0x40]  }
0x107: {  	[tilespmem:s0+$0xFFFFFF90] =	vst v3;
	v1 =	vld.idx.msk [tilespmem:v1+s17+$0x0], $0xffff  }
0x108: {  	v3 =	vld [tilespmem:s2+$0xFFFFFFA0]  }
0x109: {  	v4 =	vld.idx.msk [tilespmem:v4+s17+$0x0], $0xffff;
	[tilespmem:s31+$0xFFFFFFB0] =	vst v2  }
0x10a: {  	v2 =	vld [tilespmem:s13+$0xFFFFFFC0]  }
0x10b: {  	s23 =	simm.s32 $0x3780;
	v5 =	vld.idx.msk [tilespmem:v5+s17+$0x0], $0xffff  }
0x10c: {  	v6 =	vld [tilespmem:s23+$0x0];
	[tilespmem:s0+$0x20] =	vst v1  }
0x10d: {  	s21 =	simm.s32 $0x10680;
	v1 =	vld [tilespmem:s2+$0x30]  }
0x10e: {  	[tilespmem:s21+$0x0] =	vst v4;
	v0 =	vld.idx.msk [tilespmem:v0+s17+$0x0], $0xffff  }
0x10f: {  	v4 =	vld [tilespmem:s16+$0x10]  }
0x110: {  	[tilespmem:s21+$0xFFFFFF80] =	vst v5;
	v3 =	vld.idx.msk [tilespmem:v3+s17+$0x0], $0xffff  }
0x111: {  	v5 =	vld [tilespmem:s16+$0xFFFFFF90]  }
0x112: {  	v2 =	vld.idx.msk [tilespmem:v2+s17+$0x0], $0xffff  }
0x113: {  	v7 =	vld [tilespmem:s23+$0xFFFFFF80];
	[tilespmem:s31+$0x40] =	vst v0  }
0x114: {  	v0 =	vld [tilespmem:s13+$0x50]  }
0x115: {  	[tilespmem:s0+$0xFFFFFFA0] =	vst v3;
	v1 =	vld.idx.msk [tilespmem:v1+s17+$0x0], $0xffff  }
0x116: {  	v3 =	vld [tilespmem:s2+$0xFFFFFFB0]  }
0x117: {  	v4 =	vld.idx.msk [tilespmem:v4+s17+$0x0], $0xffff;
	[tilespmem:s31+$0xFFFFFFC0] =	vst v2  }
0x118: {  	v2 =	vld [tilespmem:s13+$0xFFFFFFD0]  }
0x119: {  	v5 =	vld.idx.msk [tilespmem:v5+s17+$0x0], $0xffff  }
0x11a: {  	v6 =	vld.idx.msk [tilespmem:v6+s17+$0x0], $0xffff;
	[tilespmem:s0+$0x30] =	vst v1  }
0x11b: {  	v1 =	vld [tilespmem:s2+$0x40]  }
0x11c: {  	[tilespmem:s21+$0x10] =	vst v4;
	v0 =	vld.idx.msk [tilespmem:v0+s17+$0x0], $0xffff  }
0x11d: {  	v4 =	vld [tilespmem:s16+$0x20]  }
0x11e: {  	[tilespmem:s21+$0xFFFFFF90] =	vst v5;
	v3 =	vld.idx.msk [tilespmem:v3+s17+$0x0], $0xffff  }
0x11f: {  	v5 =	vld [tilespmem:s16+$0xFFFFFFA0]  }
0x120: {  	v2 =	vld.idx.msk [tilespmem:v2+s17+$0x0], $0xffff  }
0x121: {  	v7 =	vld.idx.msk [tilespmem:v7+s17+$0x0], $0xffff;
	[tilespmem:s31+$0x50] =	vst v0  }
0x122: {  	v0 =	vld [tilespmem:s13+$0x60]  }
0x123: {  	s5 =	simm.s32 $0x10780;
	[tilespmem:s0+$0xFFFFFFB0] =	vst v3;
	v1 =	vld.idx.msk [tilespmem:v1+s17+$0x0], $0xffff  }
0x124: {  	[tilespmem:s5+$0x0] =	vst v6;
	v3 =	vld [tilespmem:s2+$0xFFFFFFC0]  }
0x125: {  	[tilespmem:s31+$0xFFFFFFD0] =	vst v2;
	v2 =	vld.idx.msk [tilespmem:v4+s17+$0x0], $0xffff  }
0x126: {  	v6 =	vld [tilespmem:s23+$0x10]  }
0x127: {  	v4 =	vld [tilespmem:s13+$0xFFFFFFE0]  }
0x128: {  	v5 =	vld.idx.msk [tilespmem:v5+s17+$0x0], $0xffff;
	[tilespmem:s0+$0x40] =	vst v1  }
0x129: {  	v1 =	vld [tilespmem:s2+$0x50]  }
0x12a: {  	[tilespmem:s21+$0x20] =	vst v2;
	v0 =	vld.idx.msk [tilespmem:v0+s17+$0x0], $0xffff  }
0x12b: {  	v2 =	vld [tilespmem:s16+$0x30]  }
0x12c: {  	[tilespmem:s5+$0xFFFFFF80] =	vst v7;
	v3 =	vld.idx.msk [tilespmem:v3+s17+$0x0], $0xffff  }
0x12d: {  	v8 =	vld [tilespmem:s23+$0xFFFFFF90];
	[tilespmem:s21+$0xFFFFFFA0] =	vst v5  }
0x12e: {  	v9 =	vld [tilespmem:s16+$0xFFFFFFB0]  }
0x12f: {  	v4 =	vld.idx.msk [tilespmem:v4+s17+$0x0], $0xffff;
	[tilespmem:s31+$0x60] =	vst v0  }
0x130: {  	v0 =	vld [tilespmem:s13+$0x70]  }
0x131: {  	[tilespmem:s0+$0xFFFFFFC0] =	vst v3;
	v1 =	vld.idx.msk [tilespmem:v1+s17+$0x0], $0xffff  }
0x132: {  	v10 =	vld [tilespmem:s2+$0xFFFFFFD0]  }
0x133: {  	v2 =	vld.idx.msk [tilespmem:v2+s17+$0x0], $0xffff  }
0x134: {  	[tilespmem:s31+$0xFFFFFFE0] =	vst v4;
	v4 =	vld.idx.msk [tilespmem:v6+s17+$0x0], $0xffff;
	_ =	sdelay $0x1  }
0x135: {  	v5 =	vld.idx.msk [tilespmem:v8+s17+$0x0], $0xffff;
	[tilespmem:s0+$0x50] =	vst v1  }
0x136: {  	v1 =	vld [tilespmem:s2+$0x60]  }
0x137: {  	[tilespmem:s21+$0x30] =	vst v2;
	v7 =	vld.idx.msk [tilespmem:v0+s17+$0x0], $0xffff  }
0x138: {  	[tilespmem:s5+$0x10] =	vst v4;
	v4 =	vld.idx.msk [tilespmem:v9+s17+$0x0], $0xffff  }
0x139: {  	v3 =	vld [tilespmem:s16+$0x40]  }
0x13a: {  	v2 =	vld.idx.msk [tilespmem:v10+s17+$0x0], $0xffff  }
0x13b: {  	v6 =	vld [tilespmem:s23+$0x20]  }
0x13c: {  	s20 =	simm.s32 $0x3880;
	v0 =	vld [tilespmem:s13+$0xFFFFFFF0];
	s13 =	simm.s32 $0x6;
	[tilespmem:s31+$0x70] =	vst v7  }
.LBB2_4:
0x13d: {  	v7 =	vld [tilespmem:s20+$0x0];
	s13 =	sadd.s32 $0x2, s13;
	s4 =	smov.u32 s21;
	s21 =	smov.u32 s5  }
0x13e: {  	v8 =	vld [tilespmem:s20+$0xFFFFFF80];
	p0 =	slt.u32 s13, $0x62;
	[tilespmem:s5+$0xFFFFFF90] =	vst v5  }
0x13f: {  	v1 =	vld.idx.msk [tilespmem:v1+s17+$0x0], $0xffff  }
0x140: {  	v5 =	vld [tilespmem:s23+$0xFFFFFFA0];
	[tilespmem:s4+$0xFFFFFFB0] =	vst v4  }
0x141: {  	v3 =	vld.idx.msk [tilespmem:v3+s17+$0x0], $0xffff  }
0x142: {  	v4 =	vld [tilespmem:s16+$0xFFFFFFC0];
	[tilespmem:s0+$0xFFFFFFD0] =	vst v2  }
0x143: {  	v2 =	vld.idx.msk [tilespmem:v6+s17+$0x0], $0xffff  }
0x144: {  	v6 =	vld [tilespmem:s2+$0xFFFFFFE0]  }
0x145: {  	v7 =	vld.idx.msk [tilespmem:v7+s17+$0x0], $0xffff;
	[tilespmem:s0+$0x60] =	vst v1  }
0x146: {  	v1 =	vld [tilespmem:s2+$0x70]  }
0x147: {  	v8 =	vld.idx.msk [tilespmem:v8+s17+$0x0], $0xffff;
	[tilespmem:s4+$0x40] =	vst v3  }
0x148: {  	v3 =	vld [tilespmem:s16+$0x50]  }
0x149: {  	v5 =	vld.idx.msk [tilespmem:v5+s17+$0x0], $0xffff;
	[tilespmem:s5+$0x20] =	vst v2  }
0x14a: {  	s5 =	sadd.s32 $0x100, s5;
	v2 =	vld [tilespmem:s23+$0x30]  }
0x14b: {  	[tilespmem:s5+$0x0] =	vst v7;
	v4 =	vld.idx.msk [tilespmem:v4+s17+$0x0], $0xffff  }
0x14c: {  	v7 =	vld [tilespmem:s20+$0x10]  }
0x14d: {  	[tilespmem:s5+$0xFFFFFF80] =	vst v8;
	v6 =	vld.idx.msk [tilespmem:v6+s17+$0x0], $0xffff  }
0x14e: {  	v1 =	vld.idx.msk [tilespmem:v1+s17+$0x0], $0xffff  }
0x14f: {  	v8 =	vld [tilespmem:s20+$0xFFFFFF90];
	[tilespmem:s21+$0xFFFFFFA0] =	vst v5  }
0x150: {  	v3 =	vld.idx.msk [tilespmem:v3+s17+$0x0], $0xffff  }
0x151: {  	v9 =	vld [tilespmem:s23+$0xFFFFFFB0];
	[tilespmem:s4+$0xFFFFFFC0] =	vst v4  }
0x152: {  	v2 =	vld.idx.msk [tilespmem:v2+s17+$0x0], $0xffff  }
0x153: {  	v10 =	vld [tilespmem:s16+$0xFFFFFFD0];
	[tilespmem:s0+$0xFFFFFFE0] =	vst v6  }
0x154: {  	v4 =	vld.idx.msk [tilespmem:v7+s17+$0x0], $0xffff;
	[tilespmem:s0+$0x70] =	vst v1  }
0x155: {  	v6 =	vld [tilespmem:s2+$0xFFFFFFF0];
	s2 =	smov.u32 s16;
	s16 =	smov.u32 s23;
	s23 =	smov.u32 s20  }
0x156: {  	[tilespmem:s4+$0x50] =	vst v3;
	v7 =	vld.idx.msk [tilespmem:v0+s17+$0x0], $0xffff  }
0x157: {  	v1 =	vld [tilespmem:s2+$0x60]  }
.Ltmp1:
0x158: {  	v5 =	vld.idx.msk [tilespmem:v8+s17+$0x0], $0xffff;
	[tilespmem:s21+$0x30] =	vst v2;
	(pc) =	sbr.rel @p0 .LBB2_4-.Ltmp1, $4  }
0x159: {  	v3 =	vld [tilespmem:s16+$0x40]  }
0x15a: {  	[tilespmem:s5+$0x10] =	vst v4;
	v4 =	vld.idx.msk [tilespmem:v9+s17+$0x0], $0xffff;
	v0 =	vmov v6  }
0x15b: {  	v6 =	vld [tilespmem:s20+$0x20]  }
0x15c: {  	s20 =	sadd.s32 $0x100, s20;
	v2 =	vld.idx.msk [tilespmem:v10+s17+$0x0], $0xffff;
	[tilespmem:s31+$0xFFFFFFF0] =	vst v7;
	s31 =	smov.u32 s0;
	s0 =	smov.u32 s4  }
0x15d: {  	[tilespmem:s5+$0xFFFFFF90] =	vst v5  }
0x15e: {  	v5 =	vld [tilespmem:s23+$0xFFFFFFA0];
	_ =	sdelay $0x6  }
0x15f: {  	v6 =	vld.idx.msk [tilespmem:v6+s17+$0x0], $0xffff  }
0x160: {  	v5 =	vld.idx.msk [tilespmem:v5+s17+$0x0], $0xffff;
	_ =	sdelay $0x3  }
0x161: {  	[tilespmem:s5+$0x20] =	vst v6  }
0x162: {  	v6 =	vld [tilespmem:s23+$0x30];
	[tilespmem:s5+$0xFFFFFFA0] =	vst v5  }
0x163: {  	v5 =	vld [tilespmem:s23+$0xFFFFFFB0];
	_ =	sdelay $0x6  }
0x164: {  	v6 =	vld.idx.msk [tilespmem:v6+s17+$0x0], $0xffff  }
0x165: {  	v5 =	vld.idx.msk [tilespmem:v5+s17+$0x0], $0xffff;
	_ =	sdelay $0x2  }
0x166: {  	[tilespmem:s21+$0xFFFFFFB0] =	vst v4  }
0x167: {  	[tilespmem:s5+$0x30] =	vst v6;
	v6 =	vld [tilespmem:s16+$0xFFFFFFC0]  }
0x168: {  	v4 =	vld [tilespmem:s23+$0x40];
	[tilespmem:s5+$0xFFFFFFB0] =	vst v5  }
0x169: {  	v5 =	vld [tilespmem:s23+$0xFFFFFFC0];
	_ =	sdelay $0x4  }
0x16a: {  	v3 =	vld.idx.msk [tilespmem:v3+s17+$0x0], $0xffff  }
0x16b: {  	v6 =	vld.idx.msk [tilespmem:v6+s17+$0x0], $0xffff  }
0x16c: {  	v4 =	vld.idx.msk [tilespmem:v4+s17+$0x0], $0xffff  }
0x16d: {  	v5 =	vld.idx.msk [tilespmem:v5+s17+$0x0], $0xffff;
	_ =	sdelay $0x1  }
0x16e: {  	[tilespmem:s21+$0x40] =	vst v3  }
0x16f: {  	v3 =	vld [tilespmem:s16+$0x50];
	[tilespmem:s21+$0xFFFFFFC0] =	vst v6  }
0x170: {  	[tilespmem:s5+$0x40] =	vst v4;
	v6 =	vld [tilespmem:s16+$0xFFFFFFD0]  }
0x171: {  	v4 =	vld [tilespmem:s23+$0x50];
	[tilespmem:s5+$0xFFFFFFC0] =	vst v5  }
0x172: {  	v5 =	vld [tilespmem:s23+$0xFFFFFFD0];
	_ =	sdelay $0x4  }
0x173: {  	v3 =	vld.idx.msk [tilespmem:v3+s17+$0x0], $0xffff  }
0x174: {  	v6 =	vld.idx.msk [tilespmem:v6+s17+$0x0], $0xffff  }
0x175: {  	v4 =	vld.idx.msk [tilespmem:v4+s17+$0x0], $0xffff  }
0x176: {  	v5 =	vld.idx.msk [tilespmem:v5+s17+$0x0], $0xffff  }
0x177: {  	v1 =	vld.idx.msk [tilespmem:v1+s17+$0x0], $0xffff;
	[tilespmem:s0+$0xFFFFFFD0] =	vst v2  }
0x178: {  	[tilespmem:s21+$0x50] =	vst v3;
	v3 =	vld [tilespmem:s2+$0xFFFFFFE0]  }
0x179: {  	v2 =	vld [tilespmem:s16+$0x60];
	[tilespmem:s21+$0xFFFFFFD0] =	vst v6  }
0x17a: {  	[tilespmem:s5+$0x50] =	vst v4;
	v6 =	vld [tilespmem:s16+$0xFFFFFFE0]  }
0x17b: {  	v4 =	vld [tilespmem:s23+$0x60];
	[tilespmem:s5+$0xFFFFFFD0] =	vst v5  }
0x17c: {  	v5 =	vld [tilespmem:s23+$0xFFFFFFE0];
	_ =	sdelay $0x1  }
0x17d: {  	[tilespmem:s0+$0x60] =	vst v1  }
0x17e: {  	v1 =	vld [tilespmem:s2+$0x70]  }
0x17f: {  	v3 =	vld.idx.msk [tilespmem:v3+s17+$0x0], $0xffff  }
0x180: {  	v2 =	vld.idx.msk [tilespmem:v2+s17+$0x0], $0xffff  }
0x181: {  	v6 =	vld.idx.msk [tilespmem:v6+s17+$0x0], $0xffff  }
0x182: {  	v4 =	vld.idx.msk [tilespmem:v4+s17+$0x0], $0xffff  }
0x183: {  	v5 =	vld.idx.msk [tilespmem:v5+s17+$0x0], $0xffff  }
0x184: {  	[tilespmem:s0+$0xFFFFFFE0] =	vst v3  }
0x185: {  	[tilespmem:s21+$0x60] =	vst v2;
	v3 =	vld [tilespmem:s2+$0xFFFFFFF0]  }
0x186: {  	v2 =	vld [tilespmem:s16+$0x70];
	[tilespmem:s21+$0xFFFFFFE0] =	vst v6  }
0x187: {  	[tilespmem:s5+$0x60] =	vst v4;
	v6 =	vld [tilespmem:s16+$0xFFFFFFF0]  }
0x188: {  	v4 =	vld [tilespmem:s23+$0x70];
	[tilespmem:s5+$0xFFFFFFE0] =	vst v5  }
0x189: {  	v5 =	vld [tilespmem:s23+$0xFFFFFFF0]  }
0x18a: {  	v1 =	vld.idx.msk [tilespmem:v1+s17+$0x0], $0xffff;
	_ =	sdelay $0x1  }
0x18b: {  	v0 =	vld.idx.msk [tilespmem:v0+s17+$0x0], $0xffff  }
0x18c: {  	v3 =	vld.idx.msk [tilespmem:v3+s17+$0x0], $0xffff  }
0x18d: {  	v2 =	vld.idx.msk [tilespmem:v2+s17+$0x0], $0xffff  }
0x18e: {  	[tilespmem:s0+$0x70] =	vst v1;
	v1 =	vld.idx.msk [tilespmem:v6+s17+$0x0], $0xffff  }
0x18f: {  	v4 =	vld.idx.msk [tilespmem:v4+s17+$0x0], $0xffff  }
0x190: {  	[tilespmem:s31+$0xFFFFFFF0] =	vst v0;
	v0 =	vld.idx.msk [tilespmem:v5+s17+$0x0], $0xffff  }
0x191: {  	[tilespmem:s0+$0xFFFFFFF0] =	vst v3  }
0x192: {  	[tilespmem:s21+$0x70] =	vst v2  }
0x193: {  	[tilespmem:s21+$0xFFFFFFF0] =	vst v1  }
0x194: {  	[tilespmem:s5+$0x70] =	vst v4  }
0x195: {  	[tilespmem:s5+$0xFFFFFFF0] =	vst v0;
	s5 =	simm.s32 $0x10400  }
0x196: {  	[hbm4b:s9+s14] =	stream.strided.scatter [tilespmem:s5], [sflag:$0x6], $0x3000, s15, s14, $0x38;
	[tilespmem:$0x1A080] =	vst v63  }
0x197: {  	s13 =	sadd.s32 $0x30000, s9;
	s16 =	simm.s32 $0x13400  }
0x198: {  	[hbm4b:s13+s3] =	stream.linear.scatter [tilespmem:s16], [sflag:$0x6], $0x200, $0x38;
	[tilespmem:$0x1A080] =	vst v63  }
0x199: {  	s20 =	simm.s32 $0x9C00  }
0x19a: {  	[tilespmem:s20], [sflag:$0x4] =	stream.strided.gather [hbm4b:s10+s14], $0x3000, s15, s14, $0x38;
	[tilespmem:$0x1A080] =	vst v63  }
0x19b: {  	s23 =	simm.s32 $0xCC00;
	s21 =	sadd.s32 $0x30000, s10  }
0x19c: {  	[tilespmem:s23], [sflag:$0x4] =	stream.linear.gather [hbm4b:s21+s3], $0x200, $0x38;
	[tilespmem:$0x1A080] =	vst v63  }
0x19d: {  	_ =	swait.ge [sflag:s1], $0x3200  }
0x19e: {  	[sflag:s1] =	ssyncset.done $0x0  }
0x19f: {  	s13 =	simm.s32 $0x6880;
	[sflag:s1] =	ssyncadd.s32 $0xFFFFCE00  }
0x1a0: {  	v0 =	vld [tilespmem:s13+$0x0];
	_ =	sdelay $0x1  }
0x1a1: {  	v1 =	vld [tilespmem:s13+$0xFFFFFF80];
	_ =	sdelay $0x5  }
0x1a2: {  	v0 =	vld.idx.msk [tilespmem:v0+s17+$0x0], $0xffff;
	_ =	sdelay $0x1  }
0x1a3: {  	v1 =	vld.idx.msk [tilespmem:v1+s17+$0x0], $0xffff;
	_ =	sdelay $0x1  }
0x1a4: {  	s31 =	simm.s32 $0x13880  }
0x1a5: {  	[tilespmem:s31+$0x0] =	vst v0  }
0x1a6: {  	v0 =	vld [tilespmem:s13+$0x10]  }
0x1a7: {  	[tilespmem:s31+$0xFFFFFF80] =	vst v1  }
0x1a8: {  	v1 =	vld [tilespmem:s13+$0xFFFFFF90];
	_ =	sdelay $0x3  }
0x1a9: {  	s2 =	simm.s32 $0x6980  }
0x1aa: {  	v2 =	vld [tilespmem:s2+$0x0]  }
0x1ab: {  	v0 =	vld.idx.msk [tilespmem:v0+s17+$0x0], $0xffff;
	_ =	sdelay $0x1  }
0x1ac: {  	v1 =	vld.idx.msk [tilespmem:v1+s17+$0x0], $0xffff;
	_ =	sdelay $0x2  }
0x1ad: {  	[tilespmem:s31+$0x10] =	vst v0  }
0x1ae: {  	v0 =	vld [tilespmem:s13+$0x20]  }
0x1af: {  	[tilespmem:s31+$0xFFFFFF90] =	vst v1;
	v1 =	vld.idx.msk [tilespmem:v2+s17+$0x0], $0xffff  }
0x1b0: {  	v3 =	vld [tilespmem:s2+$0xFFFFFF80];
	_ =	sdelay $0x1  }
0x1b1: {  	v2 =	vld [tilespmem:s13+$0xFFFFFFA0]  }
0x1b2: {  	s0 =	simm.s32 $0x13980  }
0x1b3: {  	[tilespmem:s0+$0x0] =	vst v1  }
0x1b4: {  	v1 =	vld [tilespmem:s2+$0x10]  }
0x1b5: {  	v0 =	vld.idx.msk [tilespmem:v0+s17+$0x0], $0xffff;
	_ =	sdelay $0x1  }
0x1b6: {  	v3 =	vld.idx.msk [tilespmem:v3+s17+$0x0], $0xffff;
	_ =	sdelay $0x1  }
0x1b7: {  	v2 =	vld.idx.msk [tilespmem:v2+s17+$0x0], $0xffff  }
0x1b8: {  	[tilespmem:s31+$0x20] =	vst v0  }
0x1b9: {  	v0 =	vld [tilespmem:s13+$0x30]  }
0x1ba: {  	[tilespmem:s0+$0xFFFFFF80] =	vst v3;
	v1 =	vld.idx.msk [tilespmem:v1+s17+$0x0], $0xffff  }
0x1bb: {  	v3 =	vld [tilespmem:s2+$0xFFFFFF90]  }
0x1bc: {  	[tilespmem:s31+$0xFFFFFFA0] =	vst v2  }
0x1bd: {  	v2 =	vld [tilespmem:s13+$0xFFFFFFB0];
	_ =	sdelay $0x1  }
0x1be: {  	[tilespmem:s0+$0x10] =	vst v1  }
0x1bf: {  	v1 =	vld [tilespmem:s2+$0x20]  }
0x1c0: {  	s16 =	simm.s32 $0x6A80;
	v0 =	vld.idx.msk [tilespmem:v0+s17+$0x0], $0xffff  }
0x1c1: {  	v4 =	vld [tilespmem:s16+$0x0]  }
0x1c2: {  	v3 =	vld.idx.msk [tilespmem:v3+s17+$0x0], $0xffff  }
0x1c3: {  	v5 =	vld [tilespmem:s16+$0xFFFFFF80]  }
0x1c4: {  	v2 =	vld.idx.msk [tilespmem:v2+s17+$0x0], $0xffff  }
0x1c5: {  	[tilespmem:s31+$0x30] =	vst v0  }
0x1c6: {  	v0 =	vld [tilespmem:s13+$0x40]  }
0x1c7: {  	[tilespmem:s0+$0xFFFFFF90] =	vst v3;
	v1 =	vld.idx.msk [tilespmem:v1+s17+$0x0], $0xffff  }
0x1c8: {  	v3 =	vld [tilespmem:s2+$0xFFFFFFA0]  }
0x1c9: {  	v4 =	vld.idx.msk [tilespmem:v4+s17+$0x0], $0xffff;
	[tilespmem:s31+$0xFFFFFFB0] =	vst v2  }
0x1ca: {  	v2 =	vld [tilespmem:s13+$0xFFFFFFC0]  }
0x1cb: {  	s23 =	simm.s32 $0x6B80;
	v5 =	vld.idx.msk [tilespmem:v5+s17+$0x0], $0xffff  }
0x1cc: {  	v6 =	vld [tilespmem:s23+$0x0];
	[tilespmem:s0+$0x20] =	vst v1  }
0x1cd: {  	s21 =	simm.s32 $0x13A80;
	v1 =	vld [tilespmem:s2+$0x30]  }
0x1ce: {  	[tilespmem:s21+$0x0] =	vst v4;
	v0 =	vld.idx.msk [tilespmem:v0+s17+$0x0], $0xffff  }
0x1cf: {  	v4 =	vld [tilespmem:s16+$0x10]  }
0x1d0: {  	[tilespmem:s21+$0xFFFFFF80] =	vst v5;
	v3 =	vld.idx.msk [tilespmem:v3+s17+$0x0], $0xffff  }
0x1d1: {  	v5 =	vld [tilespmem:s16+$0xFFFFFF90]  }
0x1d2: {  	v2 =	vld.idx.msk [tilespmem:v2+s17+$0x0], $0xffff  }
0x1d3: {  	v7 =	vld [tilespmem:s23+$0xFFFFFF80];
	[tilespmem:s31+$0x40] =	vst v0  }
0x1d4: {  	v0 =	vld [tilespmem:s13+$0x50]  }
0x1d5: {  	[tilespmem:s0+$0xFFFFFFA0] =	vst v3;
	v1 =	vld.idx.msk [tilespmem:v1+s17+$0x0], $0xffff  }
0x1d6: {  	v3 =	vld [tilespmem:s2+$0xFFFFFFB0]  }
0x1d7: {  	v4 =	vld.idx.msk [tilespmem:v4+s17+$0x0], $0xffff;
	[tilespmem:s31+$0xFFFFFFC0] =	vst v2  }
0x1d8: {  	v2 =	vld [tilespmem:s13+$0xFFFFFFD0]  }
0x1d9: {  	v5 =	vld.idx.msk [tilespmem:v5+s17+$0x0], $0xffff  }
0x1da: {  	v6 =	vld.idx.msk [tilespmem:v6+s17+$0x0], $0xffff;
	[tilespmem:s0+$0x30] =	vst v1  }
0x1db: {  	v1 =	vld [tilespmem:s2+$0x40]  }
0x1dc: {  	[tilespmem:s21+$0x10] =	vst v4;
	v0 =	vld.idx.msk [tilespmem:v0+s17+$0x0], $0xffff  }
0x1dd: {  	v4 =	vld [tilespmem:s16+$0x20]  }
0x1de: {  	[tilespmem:s21+$0xFFFFFF90] =	vst v5;
	v3 =	vld.idx.msk [tilespmem:v3+s17+$0x0], $0xffff  }
0x1df: {  	v5 =	vld [tilespmem:s16+$0xFFFFFFA0]  }
0x1e0: {  	v2 =	vld.idx.msk [tilespmem:v2+s17+$0x0], $0xffff  }
0x1e1: {  	v7 =	vld.idx.msk [tilespmem:v7+s17+$0x0], $0xffff;
	[tilespmem:s31+$0x50] =	vst v0  }
0x1e2: {  	v0 =	vld [tilespmem:s13+$0x60]  }
0x1e3: {  	s5 =	simm.s32 $0x13B80;
	[tilespmem:s0+$0xFFFFFFB0] =	vst v3;
	v1 =	vld.idx.msk [tilespmem:v1+s17+$0x0], $0xffff  }
0x1e4: {  	[tilespmem:s5+$0x0] =	vst v6;
	v3 =	vld [tilespmem:s2+$0xFFFFFFC0]  }
0x1e5: {  	[tilespmem:s31+$0xFFFFFFD0] =	vst v2;
	v2 =	vld.idx.msk [tilespmem:v4+s17+$0x0], $0xffff  }
0x1e6: {  	v6 =	vld [tilespmem:s23+$0x10]  }
0x1e7: {  	v4 =	vld [tilespmem:s13+$0xFFFFFFE0]  }
0x1e8: {  	v5 =	vld.idx.msk [tilespmem:v5+s17+$0x0], $0xffff;
	[tilespmem:s0+$0x40] =	vst v1  }
0x1e9: {  	v1 =	vld [tilespmem:s2+$0x50]  }
0x1ea: {  	[tilespmem:s21+$0x20] =	vst v2;
	v0 =	vld.idx.msk [tilespmem:v0+s17+$0x0], $0xffff  }
0x1eb: {  	v2 =	vld [tilespmem:s16+$0x30]  }
0x1ec: {  	[tilespmem:s5+$0xFFFFFF80] =	vst v7;
	v3 =	vld.idx.msk [tilespmem:v3+s17+$0x0], $0xffff  }
0x1ed: {  	v8 =	vld [tilespmem:s23+$0xFFFFFF90];
	[tilespmem:s21+$0xFFFFFFA0] =	vst v5  }
0x1ee: {  	v9 =	vld [tilespmem:s16+$0xFFFFFFB0]  }
0x1ef: {  	v4 =	vld.idx.msk [tilespmem:v4+s17+$0x0], $0xffff;
	[tilespmem:s31+$0x60] =	vst v0  }
0x1f0: {  	v0 =	vld [tilespmem:s13+$0x70]  }
0x1f1: {  	[tilespmem:s0+$0xFFFFFFC0] =	vst v3;
	v1 =	vld.idx.msk [tilespmem:v1+s17+$0x0], $0xffff  }
0x1f2: {  	v10 =	vld [tilespmem:s2+$0xFFFFFFD0]  }
0x1f3: {  	v2 =	vld.idx.msk [tilespmem:v2+s17+$0x0], $0xffff  }
0x1f4: {  	[tilespmem:s31+$0xFFFFFFE0] =	vst v4;
	v4 =	vld.idx.msk [tilespmem:v6+s17+$0x0], $0xffff;
	_ =	sdelay $0x1  }
0x1f5: {  	v5 =	vld.idx.msk [tilespmem:v8+s17+$0x0], $0xffff;
	[tilespmem:s0+$0x50] =	vst v1  }
0x1f6: {  	v1 =	vld [tilespmem:s2+$0x60]  }
0x1f7: {  	[tilespmem:s21+$0x30] =	vst v2;
	v7 =	vld.idx.msk [tilespmem:v0+s17+$0x0], $0xffff  }
0x1f8: {  	[tilespmem:s5+$0x10] =	vst v4;
	v4 =	vld.idx.msk [tilespmem:v9+s17+$0x0], $0xffff  }
0x1f9: {  	v3 =	vld [tilespmem:s16+$0x40]  }
0x1fa: {  	v2 =	vld.idx.msk [tilespmem:v10+s17+$0x0], $0xffff  }
0x1fb: {  	v6 =	vld [tilespmem:s23+$0x20]  }
0x1fc: {  	s20 =	simm.s32 $0x6C80;
	v0 =	vld [tilespmem:s13+$0xFFFFFFF0];
	s13 =	simm.s32 $0x6;
	[tilespmem:s31+$0x70] =	vst v7  }
.LBB2_6:
0x1fd: {  	v7 =	vld [tilespmem:s20+$0x0];
	s13 =	sadd.s32 $0x2, s13;
	s4 =	smov.u32 s21;
	s21 =	smov.u32 s5  }
0x1fe: {  	v8 =	vld [tilespmem:s20+$0xFFFFFF80];
	p0 =	slt.u32 s13, $0x62;
	[tilespmem:s5+$0xFFFFFF90] =	vst v5  }
0x1ff: {  	v1 =	vld.idx.msk [tilespmem:v1+s17+$0x0], $0xffff  }
0x200: {  	v5 =	vld [tilespmem:s23+$0xFFFFFFA0];
	[tilespmem:s4+$0xFFFFFFB0] =	vst v4  }
0x201: {  	v3 =	vld.idx.msk [tilespmem:v3+s17+$0x0], $0xffff  }
0x202: {  	v4 =	vld [tilespmem:s16+$0xFFFFFFC0];
	[tilespmem:s0+$0xFFFFFFD0] =	vst v2  }
0x203: {  	v2 =	vld.idx.msk [tilespmem:v6+s17+$0x0], $0xffff  }
0x204: {  	v6 =	vld [tilespmem:s2+$0xFFFFFFE0]  }
0x205: {  	v7 =	vld.idx.msk [tilespmem:v7+s17+$0x0], $0xffff;
	[tilespmem:s0+$0x60] =	vst v1  }
0x206: {  	v1 =	vld [tilespmem:s2+$0x70]  }
0x207: {  	v8 =	vld.idx.msk [tilespmem:v8+s17+$0x0], $0xffff;
	[tilespmem:s4+$0x40] =	vst v3  }
0x208: {  	v3 =	vld [tilespmem:s16+$0x50]  }
0x209: {  	v5 =	vld.idx.msk [tilespmem:v5+s17+$0x0], $0xffff;
	[tilespmem:s5+$0x20] =	vst v2  }
0x20a: {  	s5 =	sadd.s32 $0x100, s5;
	v2 =	vld [tilespmem:s23+$0x30]  }
0x20b: {  	[tilespmem:s5+$0x0] =	vst v7;
	v4 =	vld.idx.msk [tilespmem:v4+s17+$0x0], $0xffff  }
0x20c: {  	v7 =	vld [tilespmem:s20+$0x10]  }
0x20d: {  	[tilespmem:s5+$0xFFFFFF80] =	vst v8;
	v6 =	vld.idx.msk [tilespmem:v6+s17+$0x0], $0xffff  }
0x20e: {  	v1 =	vld.idx.msk [tilespmem:v1+s17+$0x0], $0xffff  }
0x20f: {  	v8 =	vld [tilespmem:s20+$0xFFFFFF90];
	[tilespmem:s21+$0xFFFFFFA0] =	vst v5  }
0x210: {  	v3 =	vld.idx.msk [tilespmem:v3+s17+$0x0], $0xffff  }
0x211: {  	v9 =	vld [tilespmem:s23+$0xFFFFFFB0];
	[tilespmem:s4+$0xFFFFFFC0] =	vst v4  }
0x212: {  	v2 =	vld.idx.msk [tilespmem:v2+s17+$0x0], $0xffff  }
0x213: {  	v10 =	vld [tilespmem:s16+$0xFFFFFFD0];
	[tilespmem:s0+$0xFFFFFFE0] =	vst v6  }
0x214: {  	v4 =	vld.idx.msk [tilespmem:v7+s17+$0x0], $0xffff;
	[tilespmem:s0+$0x70] =	vst v1  }
0x215: {  	v6 =	vld [tilespmem:s2+$0xFFFFFFF0];
	s2 =	smov.u32 s16;
	s16 =	smov.u32 s23;
	s23 =	smov.u32 s20  }
0x216: {  	[tilespmem:s4+$0x50] =	vst v3;
	v7 =	vld.idx.msk [tilespmem:v0+s17+$0x0], $0xffff  }
0x217: {  	v1 =	vld [tilespmem:s2+$0x60]  }
.Ltmp2:
0x218: {  	v5 =	vld.idx.msk [tilespmem:v8+s17+$0x0], $0xffff;
	[tilespmem:s21+$0x30] =	vst v2;
	(pc) =	sbr.rel @p0 .LBB2_6-.Ltmp2, $4  }
0x219: {  	v3 =	vld [tilespmem:s16+$0x40]  }
0x21a: {  	[tilespmem:s5+$0x10] =	vst v4;
	v4 =	vld.idx.msk [tilespmem:v9+s17+$0x0], $0xffff;
	v0 =	vmov v6  }
0x21b: {  	v6 =	vld [tilespmem:s20+$0x20]  }
0x21c: {  	s20 =	sadd.s32 $0x100, s20;
	v2 =	vld.idx.msk [tilespmem:v10+s17+$0x0], $0xffff;
	[tilespmem:s31+$0xFFFFFFF0] =	vst v7;
	s31 =	smov.u32 s0;
	s0 =	smov.u32 s4  }
0x21d: {  	[tilespmem:s5+$0xFFFFFF90] =	vst v5  }
0x21e: {  	v5 =	vld [tilespmem:s23+$0xFFFFFFA0];
	_ =	sdelay $0x6  }
0x21f: {  	v6 =	vld.idx.msk [tilespmem:v6+s17+$0x0], $0xffff  }
0x220: {  	v5 =	vld.idx.msk [tilespmem:v5+s17+$0x0], $0xffff;
	_ =	sdelay $0x3  }
0x221: {  	[tilespmem:s5+$0x20] =	vst v6  }
0x222: {  	v6 =	vld [tilespmem:s23+$0x30];
	[tilespmem:s5+$0xFFFFFFA0] =	vst v5  }
0x223: {  	v5 =	vld [tilespmem:s23+$0xFFFFFFB0];
	_ =	sdelay $0x6  }
0x224: {  	v6 =	vld.idx.msk [tilespmem:v6+s17+$0x0], $0xffff  }
0x225: {  	v5 =	vld.idx.msk [tilespmem:v5+s17+$0x0], $0xffff;
	_ =	sdelay $0x2  }
0x226: {  	[tilespmem:s21+$0xFFFFFFB0] =	vst v4  }
0x227: {  	[tilespmem:s5+$0x30] =	vst v6;
	v6 =	vld [tilespmem:s16+$0xFFFFFFC0]  }
0x228: {  	v4 =	vld [tilespmem:s23+$0x40];
	[tilespmem:s5+$0xFFFFFFB0] =	vst v5  }
0x229: {  	v5 =	vld [tilespmem:s23+$0xFFFFFFC0];
	_ =	sdelay $0x4  }
0x22a: {  	v3 =	vld.idx.msk [tilespmem:v3+s17+$0x0], $0xffff  }
0x22b: {  	v6 =	vld.idx.msk [tilespmem:v6+s17+$0x0], $0xffff  }
0x22c: {  	v4 =	vld.idx.msk [tilespmem:v4+s17+$0x0], $0xffff  }
0x22d: {  	v5 =	vld.idx.msk [tilespmem:v5+s17+$0x0], $0xffff;
	_ =	sdelay $0x1  }
0x22e: {  	[tilespmem:s21+$0x40] =	vst v3  }
0x22f: {  	v3 =	vld [tilespmem:s16+$0x50];
	[tilespmem:s21+$0xFFFFFFC0] =	vst v6  }
0x230: {  	[tilespmem:s5+$0x40] =	vst v4;
	v6 =	vld [tilespmem:s16+$0xFFFFFFD0]  }
0x231: {  	v4 =	vld [tilespmem:s23+$0x50];
	[tilespmem:s5+$0xFFFFFFC0] =	vst v5  }
0x232: {  	v5 =	vld [tilespmem:s23+$0xFFFFFFD0];
	_ =	sdelay $0x4  }
0x233: {  	v3 =	vld.idx.msk [tilespmem:v3+s17+$0x0], $0xffff  }
0x234: {  	v6 =	vld.idx.msk [tilespmem:v6+s17+$0x0], $0xffff  }
0x235: {  	v4 =	vld.idx.msk [tilespmem:v4+s17+$0x0], $0xffff  }
0x236: {  	v5 =	vld.idx.msk [tilespmem:v5+s17+$0x0], $0xffff  }
0x237: {  	v1 =	vld.idx.msk [tilespmem:v1+s17+$0x0], $0xffff;
	[tilespmem:s0+$0xFFFFFFD0] =	vst v2  }
0x238: {  	[tilespmem:s21+$0x50] =	vst v3;
	v3 =	vld [tilespmem:s2+$0xFFFFFFE0]  }
0x239: {  	v2 =	vld [tilespmem:s16+$0x60];
	[tilespmem:s21+$0xFFFFFFD0] =	vst v6  }
0x23a: {  	[tilespmem:s5+$0x50] =	vst v4;
	v6 =	vld [tilespmem:s16+$0xFFFFFFE0]  }
0x23b: {  	v4 =	vld [tilespmem:s23+$0x60];
	[tilespmem:s5+$0xFFFFFFD0] =	vst v5  }
0x23c: {  	v5 =	vld [tilespmem:s23+$0xFFFFFFE0];
	_ =	sdelay $0x1  }
0x23d: {  	[tilespmem:s0+$0x60] =	vst v1  }
0x23e: {  	v1 =	vld [tilespmem:s2+$0x70]  }
0x23f: {  	v3 =	vld.idx.msk [tilespmem:v3+s17+$0x0], $0xffff  }
0x240: {  	v2 =	vld.idx.msk [tilespmem:v2+s17+$0x0], $0xffff  }
0x241: {  	v6 =	vld.idx.msk [tilespmem:v6+s17+$0x0], $0xffff  }
0x242: {  	v4 =	vld.idx.msk [tilespmem:v4+s17+$0x0], $0xffff  }
0x243: {  	v5 =	vld.idx.msk [tilespmem:v5+s17+$0x0], $0xffff  }
0x244: {  	[tilespmem:s0+$0xFFFFFFE0] =	vst v3  }
0x245: {  	[tilespmem:s21+$0x60] =	vst v2;
	v3 =	vld [tilespmem:s2+$0xFFFFFFF0]  }
0x246: {  	v2 =	vld [tilespmem:s16+$0x70];
	[tilespmem:s21+$0xFFFFFFE0] =	vst v6  }
0x247: {  	[tilespmem:s5+$0x60] =	vst v4;
	v6 =	vld [tilespmem:s16+$0xFFFFFFF0]  }
0x248: {  	v4 =	vld [tilespmem:s23+$0x70];
	[tilespmem:s5+$0xFFFFFFE0] =	vst v5  }
0x249: {  	v5 =	vld [tilespmem:s23+$0xFFFFFFF0]  }
0x24a: {  	v1 =	vld.idx.msk [tilespmem:v1+s17+$0x0], $0xffff;
	_ =	sdelay $0x1  }
0x24b: {  	v0 =	vld.idx.msk [tilespmem:v0+s17+$0x0], $0xffff  }
0x24c: {  	v3 =	vld.idx.msk [tilespmem:v3+s17+$0x0], $0xffff  }
0x24d: {  	v2 =	vld.idx.msk [tilespmem:v2+s17+$0x0], $0xffff  }
0x24e: {  	[tilespmem:s0+$0x70] =	vst v1;
	v1 =	vld.idx.msk [tilespmem:v6+s17+$0x0], $0xffff  }
0x24f: {  	v4 =	vld.idx.msk [tilespmem:v4+s17+$0x0], $0xffff  }
0x250: {  	[tilespmem:s31+$0xFFFFFFF0] =	vst v0;
	v0 =	vld.idx.msk [tilespmem:v5+s17+$0x0], $0xffff  }
0x251: {  	[tilespmem:s0+$0xFFFFFFF0] =	vst v3  }
0x252: {  	[tilespmem:s21+$0x70] =	vst v2  }
0x253: {  	[tilespmem:s21+$0xFFFFFFF0] =	vst v1  }
0x254: {  	[tilespmem:s5+$0x70] =	vst v4  }
0x255: {  	s20 =	simm.s32 $0x13800;
	[tilespmem:s5+$0xFFFFFFF0] =	vst v0  }
0x256: {  	[hbm4b:s11+s14] =	stream.strided.scatter [tilespmem:s20], [sflag:$0x7], $0x3000, s15, s14, $0x38;
	[tilespmem:$0x1A080] =	vst v63  }
0x257: {  	s23 =	simm.s32 $0x16800;
	s21 =	sadd.s32 $0x30000, s11  }
0x258: {  	[hbm4b:s21+s3] =	stream.linear.scatter [tilespmem:s23], [sflag:$0x7], $0x200, $0x38;
	[tilespmem:$0x1A080] =	vst v63  }
0x259: {  	_ =	swait.ge [sflag:s19], $0x3200  }
0x25a: {  	[sflag:s19] =	ssyncset.done $0x0  }
0x25b: {  	s13 =	simm.s32 $0x9C80;
	[sflag:s19] =	ssyncadd.s32 $0xFFFFCE00  }
0x25c: {  	v0 =	vld [tilespmem:s13+$0x0];
	_ =	sdelay $0x1  }
0x25d: {  	v1 =	vld [tilespmem:s13+$0xFFFFFF80];
	_ =	sdelay $0x5  }
0x25e: {  	v0 =	vld.idx.msk [tilespmem:v0+s17+$0x0], $0xffff;
	_ =	sdelay $0x1  }
0x25f: {  	v1 =	vld.idx.msk [tilespmem:v1+s17+$0x0], $0xffff;
	_ =	sdelay $0x1  }
0x260: {  	s31 =	simm.s32 $0x16C80  }
0x261: {  	[tilespmem:s31+$0x0] =	vst v0  }
0x262: {  	v0 =	vld [tilespmem:s13+$0x10]  }
0x263: {  	[tilespmem:s31+$0xFFFFFF80] =	vst v1  }
0x264: {  	v1 =	vld [tilespmem:s13+$0xFFFFFF90];
	_ =	sdelay $0x3  }
0x265: {  	s2 =	simm.s32 $0x9D80  }
0x266: {  	v2 =	vld [tilespmem:s2+$0x0]  }
0x267: {  	v0 =	vld.idx.msk [tilespmem:v0+s17+$0x0], $0xffff;
	_ =	sdelay $0x1  }
0x268: {  	v1 =	vld.idx.msk [tilespmem:v1+s17+$0x0], $0xffff;
	_ =	sdelay $0x2  }
0x269: {  	[tilespmem:s31+$0x10] =	vst v0  }
0x26a: {  	v0 =	vld [tilespmem:s13+$0x20]  }
0x26b: {  	[tilespmem:s31+$0xFFFFFF90] =	vst v1;
	v1 =	vld.idx.msk [tilespmem:v2+s17+$0x0], $0xffff  }
0x26c: {  	v3 =	vld [tilespmem:s2+$0xFFFFFF80];
	_ =	sdelay $0x1  }
0x26d: {  	v2 =	vld [tilespmem:s13+$0xFFFFFFA0]  }
0x26e: {  	s0 =	simm.s32 $0x16D80  }
0x26f: {  	[tilespmem:s0+$0x0] =	vst v1  }
0x270: {  	v1 =	vld [tilespmem:s2+$0x10]  }
0x271: {  	v0 =	vld.idx.msk [tilespmem:v0+s17+$0x0], $0xffff;
	_ =	sdelay $0x1  }
0x272: {  	v3 =	vld.idx.msk [tilespmem:v3+s17+$0x0], $0xffff;
	_ =	sdelay $0x1  }
0x273: {  	v2 =	vld.idx.msk [tilespmem:v2+s17+$0x0], $0xffff  }
0x274: {  	[tilespmem:s31+$0x20] =	vst v0  }
0x275: {  	v0 =	vld [tilespmem:s13+$0x30]  }
0x276: {  	[tilespmem:s0+$0xFFFFFF80] =	vst v3;
	v1 =	vld.idx.msk [tilespmem:v1+s17+$0x0], $0xffff  }
0x277: {  	v3 =	vld [tilespmem:s2+$0xFFFFFF90]  }
0x278: {  	[tilespmem:s31+$0xFFFFFFA0] =	vst v2  }
0x279: {  	v2 =	vld [tilespmem:s13+$0xFFFFFFB0];
	_ =	sdelay $0x1  }
0x27a: {  	[tilespmem:s0+$0x10] =	vst v1  }
0x27b: {  	v1 =	vld [tilespmem:s2+$0x20]  }
0x27c: {  	s16 =	simm.s32 $0x9E80;
	v0 =	vld.idx.msk [tilespmem:v0+s17+$0x0], $0xffff  }
0x27d: {  	v4 =	vld [tilespmem:s16+$0x0]  }
0x27e: {  	v3 =	vld.idx.msk [tilespmem:v3+s17+$0x0], $0xffff  }
0x27f: {  	v5 =	vld [tilespmem:s16+$0xFFFFFF80]  }
0x280: {  	v2 =	vld.idx.msk [tilespmem:v2+s17+$0x0], $0xffff  }
0x281: {  	[tilespmem:s31+$0x30] =	vst v0  }
0x282: {  	v0 =	vld [tilespmem:s13+$0x40]  }
0x283: {  	[tilespmem:s0+$0xFFFFFF90] =	vst v3;
	v1 =	vld.idx.msk [tilespmem:v1+s17+$0x0], $0xffff  }
0x284: {  	v3 =	vld [tilespmem:s2+$0xFFFFFFA0]  }
0x285: {  	v4 =	vld.idx.msk [tilespmem:v4+s17+$0x0], $0xffff;
	[tilespmem:s31+$0xFFFFFFB0] =	vst v2  }
0x286: {  	v2 =	vld [tilespmem:s13+$0xFFFFFFC0]  }
0x287: {  	s23 =	simm.s32 $0x9F80;
	v5 =	vld.idx.msk [tilespmem:v5+s17+$0x0], $0xffff  }
0x288: {  	v6 =	vld [tilespmem:s23+$0x0];
	[tilespmem:s0+$0x20] =	vst v1  }
0x289: {  	s21 =	simm.s32 $0x16E80;
	v1 =	vld [tilespmem:s2+$0x30]  }
0x28a: {  	[tilespmem:s21+$0x0] =	vst v4;
	v0 =	vld.idx.msk [tilespmem:v0+s17+$0x0], $0xffff  }
0x28b: {  	v4 =	vld [tilespmem:s16+$0x10]  }
0x28c: {  	[tilespmem:s21+$0xFFFFFF80] =	vst v5;
	v3 =	vld.idx.msk [tilespmem:v3+s17+$0x0], $0xffff  }
0x28d: {  	v5 =	vld [tilespmem:s16+$0xFFFFFF90]  }
0x28e: {  	v2 =	vld.idx.msk [tilespmem:v2+s17+$0x0], $0xffff  }
0x28f: {  	v7 =	vld [tilespmem:s23+$0xFFFFFF80];
	[tilespmem:s31+$0x40] =	vst v0  }
0x290: {  	v0 =	vld [tilespmem:s13+$0x50]  }
0x291: {  	[tilespmem:s0+$0xFFFFFFA0] =	vst v3;
	v1 =	vld.idx.msk [tilespmem:v1+s17+$0x0], $0xffff  }
0x292: {  	v3 =	vld [tilespmem:s2+$0xFFFFFFB0]  }
0x293: {  	v4 =	vld.idx.msk [tilespmem:v4+s17+$0x0], $0xffff;
	[tilespmem:s31+$0xFFFFFFC0] =	vst v2  }
0x294: {  	v2 =	vld [tilespmem:s13+$0xFFFFFFD0]  }
0x295: {  	v5 =	vld.idx.msk [tilespmem:v5+s17+$0x0], $0xffff  }
0x296: {  	v6 =	vld.idx.msk [tilespmem:v6+s17+$0x0], $0xffff;
	[tilespmem:s0+$0x30] =	vst v1  }
0x297: {  	v1 =	vld [tilespmem:s2+$0x40]  }
0x298: {  	[tilespmem:s21+$0x10] =	vst v4;
	v0 =	vld.idx.msk [tilespmem:v0+s17+$0x0], $0xffff  }
0x299: {  	v4 =	vld [tilespmem:s16+$0x20]  }
0x29a: {  	[tilespmem:s21+$0xFFFFFF90] =	vst v5;
	v3 =	vld.idx.msk [tilespmem:v3+s17+$0x0], $0xffff  }
0x29b: {  	v5 =	vld [tilespmem:s16+$0xFFFFFFA0]  }
0x29c: {  	v2 =	vld.idx.msk [tilespmem:v2+s17+$0x0], $0xffff  }
0x29d: {  	v7 =	vld.idx.msk [tilespmem:v7+s17+$0x0], $0xffff;
	[tilespmem:s31+$0x50] =	vst v0  }
0x29e: {  	v0 =	vld [tilespmem:s13+$0x60]  }
0x29f: {  	s5 =	simm.s32 $0x16F80;
	[tilespmem:s0+$0xFFFFFFB0] =	vst v3;
	v1 =	vld.idx.msk [tilespmem:v1+s17+$0x0], $0xffff  }
0x2a0: {  	[tilespmem:s5+$0x0] =	vst v6;
	v3 =	vld [tilespmem:s2+$0xFFFFFFC0]  }
0x2a1: {  	[tilespmem:s31+$0xFFFFFFD0] =	vst v2;
	v2 =	vld.idx.msk [tilespmem:v4+s17+$0x0], $0xffff  }
0x2a2: {  	v6 =	vld [tilespmem:s23+$0x10]  }
0x2a3: {  	v4 =	vld [tilespmem:s13+$0xFFFFFFE0]  }
0x2a4: {  	v5 =	vld.idx.msk [tilespmem:v5+s17+$0x0], $0xffff;
	[tilespmem:s0+$0x40] =	vst v1  }
0x2a5: {  	v1 =	vld [tilespmem:s2+$0x50]  }
0x2a6: {  	[tilespmem:s21+$0x20] =	vst v2;
	v0 =	vld.idx.msk [tilespmem:v0+s17+$0x0], $0xffff  }
0x2a7: {  	v2 =	vld [tilespmem:s16+$0x30]  }
0x2a8: {  	[tilespmem:s5+$0xFFFFFF80] =	vst v7;
	v3 =	vld.idx.msk [tilespmem:v3+s17+$0x0], $0xffff  }
0x2a9: {  	v8 =	vld [tilespmem:s23+$0xFFFFFF90];
	[tilespmem:s21+$0xFFFFFFA0] =	vst v5  }
0x2aa: {  	v9 =	vld [tilespmem:s16+$0xFFFFFFB0]  }
0x2ab: {  	v4 =	vld.idx.msk [tilespmem:v4+s17+$0x0], $0xffff;
	[tilespmem:s31+$0x60] =	vst v0  }
0x2ac: {  	v0 =	vld [tilespmem:s13+$0x70]  }
0x2ad: {  	[tilespmem:s0+$0xFFFFFFC0] =	vst v3;
	v1 =	vld.idx.msk [tilespmem:v1+s17+$0x0], $0xffff  }
0x2ae: {  	v10 =	vld [tilespmem:s2+$0xFFFFFFD0]  }
0x2af: {  	v2 =	vld.idx.msk [tilespmem:v2+s17+$0x0], $0xffff  }
0x2b0: {  	[tilespmem:s31+$0xFFFFFFE0] =	vst v4;
	v4 =	vld.idx.msk [tilespmem:v6+s17+$0x0], $0xffff;
	_ =	sdelay $0x1  }
0x2b1: {  	v5 =	vld.idx.msk [tilespmem:v8+s17+$0x0], $0xffff;
	[tilespmem:s0+$0x50] =	vst v1  }
0x2b2: {  	v1 =	vld [tilespmem:s2+$0x60]  }
0x2b3: {  	[tilespmem:s21+$0x30] =	vst v2;
	v7 =	vld.idx.msk [tilespmem:v0+s17+$0x0], $0xffff  }
0x2b4: {  	[tilespmem:s5+$0x10] =	vst v4;
	v4 =	vld.idx.msk [tilespmem:v9+s17+$0x0], $0xffff  }
0x2b5: {  	v3 =	vld [tilespmem:s16+$0x40]  }
0x2b6: {  	v2 =	vld.idx.msk [tilespmem:v10+s17+$0x0], $0xffff  }
0x2b7: {  	v6 =	vld [tilespmem:s23+$0x20]  }
0x2b8: {  	s20 =	simm.s32 $0xA080;
	v0 =	vld [tilespmem:s13+$0xFFFFFFF0];
	s13 =	simm.s32 $0x6;
	[tilespmem:s31+$0x70] =	vst v7  }
.LBB2_8:
0x2b9: {  	v7 =	vld [tilespmem:s20+$0x0];
	s13 =	sadd.s32 $0x2, s13;
	s4 =	smov.u32 s21;
	s21 =	smov.u32 s5  }
0x2ba: {  	v8 =	vld [tilespmem:s20+$0xFFFFFF80];
	p0 =	slt.u32 s13, $0x62;
	[tilespmem:s5+$0xFFFFFF90] =	vst v5  }
0x2bb: {  	v1 =	vld.idx.msk [tilespmem:v1+s17+$0x0], $0xffff  }
0x2bc: {  	v5 =	vld [tilespmem:s23+$0xFFFFFFA0];
	[tilespmem:s4+$0xFFFFFFB0] =	vst v4  }
0x2bd: {  	v3 =	vld.idx.msk [tilespmem:v3+s17+$0x0], $0xffff  }
0x2be: {  	v4 =	vld [tilespmem:s16+$0xFFFFFFC0];
	[tilespmem:s0+$0xFFFFFFD0] =	vst v2  }
0x2bf: {  	v2 =	vld.idx.msk [tilespmem:v6+s17+$0x0], $0xffff  }
0x2c0: {  	v6 =	vld [tilespmem:s2+$0xFFFFFFE0]  }
0x2c1: {  	v7 =	vld.idx.msk [tilespmem:v7+s17+$0x0], $0xffff;
	[tilespmem:s0+$0x60] =	vst v1  }
0x2c2: {  	v1 =	vld [tilespmem:s2+$0x70]  }
0x2c3: {  	v8 =	vld.idx.msk [tilespmem:v8+s17+$0x0], $0xffff;
	[tilespmem:s4+$0x40] =	vst v3  }
0x2c4: {  	v3 =	vld [tilespmem:s16+$0x50]  }
0x2c5: {  	v5 =	vld.idx.msk [tilespmem:v5+s17+$0x0], $0xffff;
	[tilespmem:s5+$0x20] =	vst v2  }
0x2c6: {  	s5 =	sadd.s32 $0x100, s5;
	v2 =	vld [tilespmem:s23+$0x30]  }
0x2c7: {  	[tilespmem:s5+$0x0] =	vst v7;
	v4 =	vld.idx.msk [tilespmem:v4+s17+$0x0], $0xffff  }
0x2c8: {  	v7 =	vld [tilespmem:s20+$0x10]  }
0x2c9: {  	[tilespmem:s5+$0xFFFFFF80] =	vst v8;
	v6 =	vld.idx.msk [tilespmem:v6+s17+$0x0], $0xffff  }
0x2ca: {  	v1 =	vld.idx.msk [tilespmem:v1+s17+$0x0], $0xffff  }
0x2cb: {  	v8 =	vld [tilespmem:s20+$0xFFFFFF90];
	[tilespmem:s21+$0xFFFFFFA0] =	vst v5  }
0x2cc: {  	v3 =	vld.idx.msk [tilespmem:v3+s17+$0x0], $0xffff  }
0x2cd: {  	v9 =	vld [tilespmem:s23+$0xFFFFFFB0];
	[tilespmem:s4+$0xFFFFFFC0] =	vst v4  }
0x2ce: {  	v2 =	vld.idx.msk [tilespmem:v2+s17+$0x0], $0xffff  }
0x2cf: {  	v10 =	vld [tilespmem:s16+$0xFFFFFFD0];
	[tilespmem:s0+$0xFFFFFFE0] =	vst v6  }
0x2d0: {  	v4 =	vld.idx.msk [tilespmem:v7+s17+$0x0], $0xffff;
	[tilespmem:s0+$0x70] =	vst v1  }
0x2d1: {  	v6 =	vld [tilespmem:s2+$0xFFFFFFF0];
	s2 =	smov.u32 s16;
	s16 =	smov.u32 s23;
	s23 =	smov.u32 s20  }
0x2d2: {  	[tilespmem:s4+$0x50] =	vst v3;
	v7 =	vld.idx.msk [tilespmem:v0+s17+$0x0], $0xffff  }
0x2d3: {  	v1 =	vld [tilespmem:s2+$0x60]  }
.Ltmp3:
0x2d4: {  	v5 =	vld.idx.msk [tilespmem:v8+s17+$0x0], $0xffff;
	[tilespmem:s21+$0x30] =	vst v2;
	(pc) =	sbr.rel @p0 .LBB2_8-.Ltmp3, $4  }
0x2d5: {  	v3 =	vld [tilespmem:s16+$0x40]  }
0x2d6: {  	[tilespmem:s5+$0x10] =	vst v4;
	v4 =	vld.idx.msk [tilespmem:v9+s17+$0x0], $0xffff;
	v0 =	vmov v6  }
0x2d7: {  	v6 =	vld [tilespmem:s20+$0x20]  }
0x2d8: {  	s20 =	sadd.s32 $0x100, s20;
	v2 =	vld.idx.msk [tilespmem:v10+s17+$0x0], $0xffff;
	[tilespmem:s31+$0xFFFFFFF0] =	vst v7;
	s31 =	smov.u32 s0;
	s0 =	smov.u32 s4  }
0x2d9: {  	[tilespmem:s5+$0xFFFFFF90] =	vst v5  }
0x2da: {  	v5 =	vld [tilespmem:s23+$0xFFFFFFA0];
	_ =	sdelay $0x6  }
0x2db: {  	v6 =	vld.idx.msk [tilespmem:v6+s17+$0x0], $0xffff  }
0x2dc: {  	v5 =	vld.idx.msk [tilespmem:v5+s17+$0x0], $0xffff;
	_ =	sdelay $0x3  }
0x2dd: {  	[tilespmem:s5+$0x20] =	vst v6  }
0x2de: {  	v6 =	vld [tilespmem:s23+$0x30];
	[tilespmem:s5+$0xFFFFFFA0] =	vst v5  }
0x2df: {  	v5 =	vld [tilespmem:s23+$0xFFFFFFB0];
	_ =	sdelay $0x6  }
0x2e0: {  	v6 =	vld.idx.msk [tilespmem:v6+s17+$0x0], $0xffff  }
0x2e1: {  	v5 =	vld.idx.msk [tilespmem:v5+s17+$0x0], $0xffff;
	_ =	sdelay $0x2  }
0x2e2: {  	[tilespmem:s21+$0xFFFFFFB0] =	vst v4  }
0x2e3: {  	v59 =	vld [tilespmem:s16+$0xFFFFFFC0];
	[tilespmem:s5+$0x30] =	vst v6  }
0x2e4: {  	v58 =	vld [tilespmem:s23+$0x40];
	[tilespmem:s5+$0xFFFFFFB0] =	vst v5  }
0x2e5: {  	v5 =	vld [tilespmem:s23+$0xFFFFFFC0];
	_ =	sdelay $0x4  }
0x2e6: {  	v3 =	vld.idx.msk [tilespmem:v3+s17+$0x0], $0xffff  }
0x2e7: {  	v6 =	vld.idx.msk [tilespmem:v59+s17+$0x0], $0xffff  }
0x2e8: {  	v4 =	vld.idx.msk [tilespmem:v58+s17+$0x0], $0xffff  }
0x2e9: {  	v5 =	vld.idx.msk [tilespmem:v5+s17+$0x0], $0xffff;
	_ =	sdelay $0x1  }
0x2ea: {  	[tilespmem:s21+$0x40] =	vst v3  }
0x2eb: {  	v3 =	vld [tilespmem:s16+$0x50];
	[tilespmem:s21+$0xFFFFFFC0] =	vst v6  }
0x2ec: {  	v6 =	vld [tilespmem:s16+$0xFFFFFFD0];
	[tilespmem:s5+$0x40] =	vst v4  }
0x2ed: {  	v4 =	vld [tilespmem:s23+$0x50];
	[tilespmem:s5+$0xFFFFFFC0] =	vst v5  }
0x2ee: {  	v5 =	vld [tilespmem:s23+$0xFFFFFFD0];
	_ =	sdelay $0x4  }
0x2ef: {  	v3 =	vld.idx.msk [tilespmem:v3+s17+$0x0], $0xffff  }
0x2f0: {  	v6 =	vld.idx.msk [tilespmem:v6+s17+$0x0], $0xffff  }
0x2f1: {  	v4 =	vld.idx.msk [tilespmem:v4+s17+$0x0], $0xffff  }
0x2f2: {  	v5 =	vld.idx.msk [tilespmem:v5+s17+$0x0], $0xffff  }
0x2f3: {  	[tilespmem:s0+$0xFFFFFFD0] =	vst v2  }
0x2f4: {  	v61 =	vld [tilespmem:s2+$0xFFFFFFE0];
	[tilespmem:s21+$0x50] =	vst v3  }
0x2f5: {  	v60 =	vld [tilespmem:s16+$0x60];
	[tilespmem:s21+$0xFFFFFFD0] =	vst v6  }
0x2f6: {  	v6 =	vld [tilespmem:s16+$0xFFFFFFE0];
	[tilespmem:s5+$0x50] =	vst v4  }
0x2f7: {  	v4 =	vld [tilespmem:s23+$0x60];
	[tilespmem:s5+$0xFFFFFFD0] =	vst v5  }
0x2f8: {  	v5 =	vld [tilespmem:s23+$0xFFFFFFE0];
	_ =	sdelay $0x2  }
0x2f9: {  	v1 =	vld.idx.msk [tilespmem:v1+s17+$0x0], $0xffff  }
0x2fa: {  	v3 =	vld.idx.msk [tilespmem:v61+s17+$0x0], $0xffff  }
0x2fb: {  	v2 =	vld.idx.msk [tilespmem:v60+s17+$0x0], $0xffff  }
0x2fc: {  	v6 =	vld.idx.msk [tilespmem:v6+s17+$0x0], $0xffff  }
0x2fd: {  	v4 =	vld.idx.msk [tilespmem:v4+s17+$0x0], $0xffff  }
0x2fe: {  	[tilespmem:s0+$0x60] =	vst v1;
	v5 =	vld.idx.msk [tilespmem:v5+s17+$0x0], $0xffff  }
0x2ff: {  	v1 =	vld [tilespmem:s2+$0x70];
	[tilespmem:s0+$0xFFFFFFE0] =	vst v3  }
0x300: {  	v3 =	vld [tilespmem:s2+$0xFFFFFFF0];
	[tilespmem:s21+$0x60] =	vst v2  }
0x301: {  	v2 =	vld [tilespmem:s16+$0x70];
	[tilespmem:s21+$0xFFFFFFE0] =	vst v6  }
0x302: {  	v6 =	vld [tilespmem:s16+$0xFFFFFFF0];
	[tilespmem:s5+$0x60] =	vst v4  }
0x303: {  	v4 =	vld [tilespmem:s23+$0x70];
	[tilespmem:s5+$0xFFFFFFE0] =	vst v5  }
0x304: {  	v5 =	vld [tilespmem:s23+$0xFFFFFFF0];
	_ =	sdelay $0x1  }
0x305: {  	v0 =	vld.idx.msk [tilespmem:v0+s17+$0x0], $0xffff  }
0x306: {  	v1 =	vld.idx.msk [tilespmem:v1+s17+$0x0], $0xffff  }
0x307: {  	v3 =	vld.idx.msk [tilespmem:v3+s17+$0x0], $0xffff  }
0x308: {  	v2 =	vld.idx.msk [tilespmem:v2+s17+$0x0], $0xffff  }
0x309: {  	v62 =	vld.idx.msk [tilespmem:v6+s17+$0x0], $0xffff  }
0x30a: {  	[tilespmem:s31+$0xFFFFFFF0] =	vst v0;
	v4 =	vld.idx.msk [tilespmem:v4+s17+$0x0], $0xffff  }
0x30b: {  	[tilespmem:s0+$0x70] =	vst v1;
	v63 =	vld.idx.msk [tilespmem:v5+s17+$0x0], $0xffff  }
0x30c: {  	[tilespmem:s0+$0xFFFFFFF0] =	vst v3  }
0x30d: {  	[tilespmem:s21+$0x70] =	vst v2  }
0x30e: {  	[tilespmem:s21+$0xFFFFFFF0] =	vst v62  }
0x30f: {  	[tilespmem:s5+$0x70] =	vst v4  }
0x310: {  	s20 =	simm.s32 $0x16C00;
	[tilespmem:s5+$0xFFFFFFF0] =	vst v63  }
0x311: {  	[hbm4b:s12+s14] =	stream.strided.scatter [tilespmem:s20], [sflag:$0x8], $0x3000, s15, s14, $0x38;
	[tilespmem:$0x1A080] =	vst v63  }
0x312: {  	s21 =	sadd.s32 $0x30000, s12;
	s23 =	simm.s32 $0x19C00  }
0x313: {  	[hbm4b:s21+s3] =	stream.linear.scatter [tilespmem:s23], [sflag:$0x8], $0x200, $0x38;
	[tilespmem:$0x1A080] =	vst v63  }
0x314: {  	_ =	swait.ge [sflag:s24], $0x3200  }
0x315: {  	[sflag:s24] =	ssyncset.done $0x0  }
0x316: {  	[sflag:s24] =	ssyncadd.s32 $0xFFFFCE00  }
0x317: {  	_ =	swait.ge [sflag:s25], $0x3200  }
0x318: {  	[sflag:s25] =	ssyncset.done $0x0  }
0x319: {  	[sflag:s25] =	ssyncadd.s32 $0xFFFFCE00  }
0x31a: {  	_ =	swait.ge [sflag:s26], $0x3200  }
0x31b: {  	[sflag:s26] =	ssyncset.done $0x0  }
0x31c: {  	[sflag:s26] =	ssyncadd.s32 $0xFFFFCE00  }
0x31d: {  	_ =	swait.ge [sflag:s29], $0x3200  }
0x31e: {  	s30 =	sadd.s32 $0x1, s30;
	s31 =	rddreg [dreg:$0x6]  }
0x31f: {  	p0 =	sne.s32 s30, s31  }
.Ltmp4:
0x320: {  	_ = 	snop;
	(pc) =	sbr.rel @p0 .LBB2_1-.Ltmp4, $3  }
0x321: {  	_ =	sdelay $0x1  }
0x322: {  	[sflag:s29] =	ssyncset.done $0x0  }
0x323: {  	[sflag:s29] =	ssyncadd.s32 $0xFFFFCE00  }
0x324: {  	_ =	sfence.sel $0x180000  }
0x325: {  	[bflag:$0x0] =	sbarrier.arrive $0xFFFF  }
0x326: {  	_ =	strace $0x90000047  }
0x327: {  	s0 =	stileid.u32;
	[bflag:$0x2] =	sbarrier.arrive $0xFFFF  }
0x328: {  	p0 =	sne.s32 s0, $0x0;
	s0 =	rddreg [dreg:$0x3]  }
0x329: {  	s0 =	sadd.s32 @!p0 $0x100000, s0  }
0x32a: {  	[sflag:s0] =	ssyncadd.tile.s32 @!p0 $0x1;
	_ =	shalt  }
.Lfunc_end2:
_tile_overlayer_lowered:
.L_overlay_start_2:
0x32b: {  	(tag) =	ssettag $0x2  }
0x32c: {  	s0 =	rddreg [dreg:$0x0];
	s2 =	stileid.u32  }
0x32d: {  	s1 =	rddreg [dreg:$0x1];
	p0 =	sne.s32 s2, $0x0  }
0x32e: {  	s3 =	rddreg [dreg:$0x2];
	[bflag:$0x3] =	sbarrier.arrive $0xFFFF;
	s2 =	simm.s32 @!p0 $0x1C09  }
0x32f: {  	[timem:s3], [sflag:s2] =	dma.local @!p0 [hbm:s0], s1  }
0x330: {  	s0 =	simm.s32 @!p0 $0x9  }
0x331: {  	_ =	swait.ge @!p0 [sflag:s0], s1  }
0x332: {  	s1 =	ssub.s32 @!p0 $0x0, s1;
	[sflag:s0] =	ssyncset.done @!p0 $0x0  }
0x333: {  	[sflag:s0] =	ssyncadd.s32 @!p0 s1  }
0x334: {  	[bflag:$0x3] =	sbarrier.arrive $0xFFFF  }
0x335: {  	_ =	shalt  }

</sc_bundles>
